<compile_context>
chip_gen: v7x
topology: tpu7x:2x2x1
jax: 0.10.2.dev20260603
libtpu: 0.0.44.dev20260713+nightly
codegen_flags: <defaults>
</compile_context>

<pallas_src>
import functools

import jax
import jax.numpy as jnp
from jax import lax
from jax.experimental import pallas as pl
from jax.experimental.pallas import tpu as pltpu
from jax.experimental.pallas import tpu_sc as plsc

VOCAB = 100000
EMBED = 128
NPOS = 2048
B = 4
S = 2048

NC = 2
NS = 16
NW = NC * NS
NROWS = B * S
ROWS_PER_W = NROWS // NW
WPB = S // ROWS_PER_W
LANES = 16

CS = (48, 48, 32, 32, 32, 32, 16, 16)
CO = tuple(sum(CS[:j]) for j in range(len(CS)))
NCHUNK = len(CS)
HALF = ROWS_PER_W // 2
assert sum(CS) == ROWS_PER_W

_mesh = plsc.VectorSubcoreMesh(
    core_axis_name="c", subcore_axis_name="s", num_cores=NC, num_subcores=NS
)


@functools.partial(
    pl.kernel,
    out_type=jax.ShapeDtypeStruct((B, S, EMBED), jnp.float32),
    mesh=_mesh,
    scratch_types=[
        pltpu.VMEM((ROWS_PER_W,), jnp.int32),
        pltpu.VMEM((2, 48), jnp.int32),
        pltpu.VMEM((4, 32), jnp.int32),
        pltpu.VMEM((2, 16), jnp.int32),
        pltpu.VMEM((ROWS_PER_W, EMBED), jnp.float32),
        pltpu.VMEM_SHARED((NS * ROWS_PER_W, EMBED), jnp.float32),
        pltpu.SemaphoreType.DMA,
        pltpu.SemaphoreType.DMA,
        pltpu.SemaphoreType.DMA,
        pltpu.SemaphoreType.DMA,
        pltpu.SemaphoreType.DMA,
        pltpu.SemaphoreType.DMA,
        pltpu.SemaphoreType.DMA,
        pltpu.SemaphoreType.DMA,
        pltpu.SemaphoreType.DMA,
        pltpu.SemaphoreType.DMA,
        pltpu.SemaphoreType.DMA,
    ],
)
def _embed_kernel(x_hbm, tok_hbm, pos_hbm, out_hbm, idx_v, ids48, ids32,
                  ids16, tok_v, acc_sh, sem_in, sem_in2, sem0, sem1, sem2,
                  sem3, sem4, sem5, sem6, sem7, sem_out):
    sems = [sem0, sem1, sem2, sem3, sem4, sem5, sem6, sem7]
    cid = lax.axis_index("c")
    sid = lax.axis_index("s")
    wid = sid * NC + cid
    b = wid // WPB
    s0 = lax.rem(wid, WPB) * ROWS_PER_W
    spbase = sid * ROWS_PER_W

    idx_cp0 = pltpu.async_copy(
        x_hbm.at[b, pl.ds(s0, HALF)], idx_v.at[pl.ds(0, HALF)], sem_in
    )
    idx_cp1 = pltpu.async_copy(
        x_hbm.at[b, pl.ds(s0 + HALF, HALF)], idx_v.at[pl.ds(HALF, HALF)], sem_in2
    )
    pos_cps = [
        pltpu.async_copy(
            pos_hbm.at[pl.ds(s0 + CO[c], CS[c])],
            acc_sh.at[pl.ds(spbase + CO[c], CS[c])],
            sems[c],
        )
        for c in range(NCHUNK)
    ]

    lane = lax.iota(jnp.int32, 16)
    ids_rows = []
    counts = {}
    for c in range(NCHUNK):
        ref = {48: ids48, 32: ids32, 16: ids16}[CS[c]]
        row = counts.get(CS[c], 0)
        counts[CS[c]] = row + 1
        for k in range(CS[c] // LANES):
            ref[row, pl.ds(k * LANES, LANES)] = lane + (
                spbase + CO[c] + k * LANES
            )
        ids_rows.append(ref.at[row])

    first_half = [c for c in range(NCHUNK) if CO[c] + CS[c] <= HALF]
    second_half = [c for c in range(NCHUNK) if CO[c] + CS[c] > HALF]
    g_cps = [None] * NCHUNK
    idx_cp0.wait()
    for c in first_half:
        g_cps[c] = pltpu.async_copy(
            tok_hbm.at[idx_v.at[pl.ds(CO[c], CS[c])]],
            tok_v.at[pl.ds(CO[c], CS[c])],
            sems[c],
        )
    idx_cp1.wait()
    for c in second_half:
        g_cps[c] = pltpu.async_copy(
            tok_hbm.at[idx_v.at[pl.ds(CO[c], CS[c])]],
            tok_v.at[pl.ds(CO[c], CS[c])],
            sems[c],
        )

    sa_cps = []
    out_cps = []
    for c in range(NCHUNK):
        pos_cps[c].wait()
        g_cps[c].wait()
        sa_cps.append(
            pltpu.async_copy(
                tok_v.at[pl.ds(CO[c], CS[c])],
                acc_sh.at[ids_rows[c]],
                sems[c],
                add=True,
            )
        )
        if c >= 1:
            sa_cps[c - 1].wait()
            out_cps.append(
                pltpu.async_copy(
                    acc_sh.at[pl.ds(spbase + CO[c - 1], CS[c - 1])],
                    out_hbm.at[b, pl.ds(s0 + CO[c - 1], CS[c - 1])],
                    sem_out,
                )
            )
    c = NCHUNK - 1
    sa_cps[c].wait()
    out_cps.append(
        pltpu.async_copy(
            acc_sh.at[pl.ds(spbase + CO[c], CS[c])],
            out_hbm.at[b, pl.ds(s0 + CO[c], CS[c])],
            sem_out,
        )
    )
    for cp in out_cps:
        cp.wait()


def kernel(x, tok_table, pos_table):
    return _embed_kernel(x, tok_table, pos_table)

# --- scband reference (transcript-rebuilt; emitter-appended) ---
"""Pipeline reference for scband-gptembedding-28252294873270 (READ-ONLY COPY).

The authoritative reference and input builder live on the scoring server;
editing this copy changes nothing except your own understanding.
"""

import jax, jax.numpy as jnp
import numpy as np

VOCAB = 100000
EMBED = 128
NPOS = 2048
B = 4
S = 2048


def setup_inputs(seed: int = 0) -> dict:
    key = jax.random.key(seed)
    k1, k2, k3 = jax.random.split(key, 3)
    x = jax.random.randint(k1, (B, S), 0, VOCAB, dtype=jnp.int32)
    tok_table = jax.random.normal(k2, (VOCAB, EMBED), dtype=jnp.float32) * 0.02
    pos_table = jax.random.normal(k3, (NPOS, EMBED), dtype=jnp.float32) * 0.02
    return {"x": x, "tok_table": tok_table, "pos_table": pos_table}


def reference(x, tok_table, pos_table):
    # token embedding lookup (nn.Embedding)
    tok = jnp.take(tok_table, x, axis=0)            # [B, S, EMBED]
    # positional embedding lookup: positions 0..S-1
    positions = jnp.arange(x.shape[1], dtype=jnp.int32)
    pos = jnp.take(pos_table, positions, axis=0)    # [S, EMBED]
    # combine token and positional embeddings
    return tok + pos[None, :, :]

if __name__ == "__main__":
    import jax
    _d = setup_inputs()
    print(jax.jit(kernel)(*tuple(_d.values())))

</pallas_src>

<mosaic_0001>
#map = affine_map<(d0, d1) -> (0, 0)>
#map1 = affine_map<(d0, d1) -> (0, 0, 0)>
module attributes {stable_mosaic.version = 14 : i64} {
  func.func @_embed_kernel(%arg0: i32, %arg1: i32, %arg2: memref<4x2048xi32, #tpu.memory_space<hbm>>, %arg3: memref<100000x128xf32, #tpu.memory_space<hbm>>, %arg4: memref<2048x128xf32, #tpu.memory_space<hbm>>, %arg5: memref<4x2048x128xf32, #tpu.memory_space<hbm>>, %arg6: memref<256xi32, #tpu.memory_space<vmem>>, %arg7: memref<2x48xi32, #tpu.memory_space<vmem>>, %arg8: memref<4x32xi32, #tpu.memory_space<vmem>>, %arg9: memref<2x16xi32, #tpu.memory_space<vmem>>, %arg10: memref<256x128xf32, #tpu.memory_space<vmem>>, %arg11: memref<4096x128xf32, #tpu.memory_space<vmem_shared>>, %arg12: memref<!tpu.dma_semaphore, #tpu.memory_space<semaphore_mem>>, %arg13: memref<!tpu.dma_semaphore, #tpu.memory_space<semaphore_mem>>, %arg14: memref<!tpu.dma_semaphore, #tpu.memory_space<semaphore_mem>>, %arg15: memref<!tpu.dma_semaphore, #tpu.memory_space<semaphore_mem>>, %arg16: memref<!tpu.dma_semaphore, #tpu.memory_space<semaphore_mem>>, %arg17: memref<!tpu.dma_semaphore, #tpu.memory_space<semaphore_mem>>, %arg18: memref<!tpu.dma_semaphore, #tpu.memory_space<semaphore_mem>>, %arg19: memref<!tpu.dma_semaphore, #tpu.memory_space<semaphore_mem>>, %arg20: memref<!tpu.dma_semaphore, #tpu.memory_space<semaphore_mem>>, %arg21: memref<!tpu.dma_semaphore, #tpu.memory_space<semaphore_mem>>, %arg22: memref<!tpu.dma_semaphore, #tpu.memory_space<semaphore_mem>>) attributes {dimension_semantics = [#tpu.dimension_semantics<core_parallel>, #tpu.dimension_semantics<subcore_parallel>], iteration_bounds = array<i64: 2, 16>, scalar_prefetch = 0 : i64, scratch_operands = 17 : i64, tpu.core_type = #tpu.core_type<sc_vector_subcore>, window_params = [{transform_indices = #map}, {transform_indices = #map}, {transform_indices = #map}, {transform_indices = #map1}]} {
    %mul3A = arith.constant 2 : i32
    %mul3A_0 = arith.muli %arg1, %mul3A : i32
    %add3A = arith.addi %mul3A_0, %arg0 : i32
    %jit3A = arith.constant 8 : i32
    %div3A = arith.divsi %add3A, %jit3A : i32
    %sign3A = arith.constant 0 : i32
    %sign3A_1 = arith.cmpi sgt, %add3A, %sign3A : i32
    %sign3A_2 = arith.extui %sign3A_1 : i1 to i32
    %sign3A_3 = arith.constant 0 : i32
    %sign3A_4 = arith.cmpi slt, %add3A, %sign3A_3 : i32
    %sign3A_5 = arith.extui %sign3A_4 : i1 to i32
    %sign3A_6 = arith.subi %sign3A_2, %sign3A_5 : i32
    %sign3A_7 = arith.constant 0 : i32
    %sign3A_8 = arith.cmpi sgt, %jit3A, %sign3A_7 : i32
    %sign3A_9 = arith.extui %sign3A_8 : i1 to i32
    %sign3A_10 = arith.constant 0 : i32
    %sign3A_11 = arith.cmpi slt, %jit3A, %sign3A_10 : i32
    %sign3A_12 = arith.extui %sign3A_11 : i1 to i32
    %sign3A_13 = arith.subi %sign3A_9, %sign3A_12 : i32
    %ne3A = arith.cmpi ne, %sign3A_6, %sign3A_13 : i32
    %rem3A = arith.remsi %add3A, %jit3A : i32
    %ne3A_14 = arith.constant 0 : i32
    %ne3A_15 = arith.cmpi ne, %rem3A, %ne3A_14 : i32
    %and3A = arith.andi %ne3A, %ne3A_15 : i1
    %sub3A = arith.constant 1 : i32
    %sub3A_16 = arith.subi %div3A, %sub3A : i32
    %select_n3A = arith.select %and3A, %sub3A_16, %div3A : i32
    %rem3A_17 = arith.constant 8 : i32
    %rem3A_18 = arith.remsi %add3A, %rem3A_17 : i32
    %mul3A_19 = arith.constant 256 : i32
    %mul3A_20 = arith.muli %rem3A_18, %mul3A_19 : i32
    %mul3A_21 = arith.constant 256 : i32
    %mul3A_22 = arith.muli %arg1, %mul3A_21 : i32
    %dma_start3A = arith.constant 0 : i32
    %dma_start3A_23 = tpu.memref_slice %arg6[%dma_start3A] : memref<256xi32, #tpu.memory_space<vmem>> -> memref<128xi32, #tpu.memory_space<vmem>>
    %dma_start3A_24 = tpu.memref_slice %arg2[%select_n3A, %mul3A_20] : memref<4x2048xi32, #tpu.memory_space<hbm>> -> memref<1x128xi32, #tpu.memory_space<hbm>>
    %dma_start3A_25 = tpu.memref_squeeze %dma_start3A_24 : memref<1x128xi32, #tpu.memory_space<hbm>> -> memref<128xi32, #tpu.memory_space<hbm>>
    %dma_start3A_26 = arith.constant 0 : i32
    %dma_start3A_27 = tpu.memref_slice %arg6[%dma_start3A_26] : memref<256xi32, #tpu.memory_space<vmem>> -> memref<128xi32, #tpu.memory_space<vmem>>
    %dma_start3A_28 = tpu.memref_slice %arg2[%select_n3A, %mul3A_20] : memref<4x2048xi32, #tpu.memory_space<hbm>> -> memref<1x128xi32, #tpu.memory_space<hbm>>
    %dma_start3A_29 = tpu.memref_squeeze %dma_start3A_28 : memref<1x128xi32, #tpu.memory_space<hbm>> -> memref<128xi32, #tpu.memory_space<hbm>>
    tpu.enqueue_dma source(%dma_start3A_29 : memref<128xi32, #tpu.memory_space<hbm>>) target(%dma_start3A_27 : memref<128xi32, #tpu.memory_space<vmem>>) target_semaphore(%arg12 : memref<!tpu.dma_semaphore, #tpu.memory_space<semaphore_mem>>)
    %add3A_30 = arith.constant 128 : i32
    %add3A_31 = arith.addi %mul3A_20, %add3A_30 : i32
    %dma_start3A_32 = arith.constant 128 : i32
    %dma_start3A_33 = tpu.memref_slice %arg6[%dma_start3A_32] : memref<256xi32, #tpu.memory_space<vmem>> -> memref<128xi32, #tpu.memory_space<vmem>>
    %dma_start3A_34 = tpu.memref_slice %arg2[%select_n3A, %add3A_31] : memref<4x2048xi32, #tpu.memory_space<hbm>> -> memref<1x128xi32, #tpu.memory_space<hbm>>
    %dma_start3A_35 = tpu.memref_squeeze %dma_start3A_34 : memref<1x128xi32, #tpu.memory_space<hbm>> -> memref<128xi32, #tpu.memory_space<hbm>>
    %dma_start3A_36 = arith.constant 128 : i32
    %dma_start3A_37 = tpu.memref_slice %arg6[%dma_start3A_36] : memref<256xi32, #tpu.memory_space<vmem>> -> memref<128xi32, #tpu.memory_space<vmem>>
    %dma_start3A_38 = tpu.memref_slice %arg2[%select_n3A, %add3A_31] : memref<4x2048xi32, #tpu.memory_space<hbm>> -> memref<1x128xi32, #tpu.memory_space<hbm>>
    %dma_start3A_39 = tpu.memref_squeeze %dma_start3A_38 : memref<1x128xi32, #tpu.memory_space<hbm>> -> memref<128xi32, #tpu.memory_space<hbm>>
    tpu.enqueue_dma source(%dma_start3A_39 : memref<128xi32, #tpu.memory_space<hbm>>) target(%dma_start3A_37 : memref<128xi32, #tpu.memory_space<vmem>>) target_semaphore(%arg13 : memref<!tpu.dma_semaphore, #tpu.memory_space<semaphore_mem>>)
    %add3A_40 = arith.constant 0 : i32
    %add3A_41 = arith.addi %mul3A_20, %add3A_40 : i32
    %add3A_42 = arith.constant 0 : i32
    %add3A_43 = arith.addi %mul3A_22, %add3A_42 : i32
    %dma_start3A_44 = arith.constant 0 : i32
    %dma_start3A_45 = tpu.memref_slice %arg11[%add3A_43, %dma_start3A_44] : memref<4096x128xf32, #tpu.memory_space<vmem_shared>> -> memref<48x128xf32, #tpu.memory_space<vmem_shared>>
    %dma_start3A_46 = arith.constant 0 : i32
    %dma_start3A_47 = tpu.memref_slice %arg4[%add3A_41, %dma_start3A_46] : memref<2048x128xf32, #tpu.memory_space<hbm>> -> memref<48x128xf32, #tpu.memory_space<hbm>>
    tpu.enqueue_dma source(%dma_start3A_47 : memref<48x128xf32, #tpu.memory_space<hbm>>) target(%dma_start3A_45 : memref<48x128xf32, #tpu.memory_space<vmem_shared>>) target_semaphore(%arg14 : memref<!tpu.dma_semaphore, #tpu.memory_space<semaphore_mem>>)
    %add3A_48 = arith.constant 48 : i32
    %add3A_49 = arith.addi %mul3A_20, %add3A_48 : i32
    %add3A_50 = arith.constant 48 : i32
    %add3A_51 = arith.addi %mul3A_22, %add3A_50 : i32
    %dma_start3A_52 = arith.constant 0 : i32
    %dma_start3A_53 = tpu.memref_slice %arg11[%add3A_51, %dma_start3A_52] : memref<4096x128xf32, #tpu.memory_space<vmem_shared>> -> memref<48x128xf32, #tpu.memory_space<vmem_shared>>
    %dma_start3A_54 = arith.constant 0 : i32
    %dma_start3A_55 = tpu.memref_slice %arg4[%add3A_49, %dma_start3A_54] : memref<2048x128xf32, #tpu.memory_space<hbm>> -> memref<48x128xf32, #tpu.memory_space<hbm>>
    tpu.enqueue_dma source(%dma_start3A_55 : memref<48x128xf32, #tpu.memory_space<hbm>>) target(%dma_start3A_53 : memref<48x128xf32, #tpu.memory_space<vmem_shared>>) target_semaphore(%arg15 : memref<!tpu.dma_semaphore, #tpu.memory_space<semaphore_mem>>)
    %add3A_56 = arith.constant 96 : i32
    %add3A_57 = arith.addi %mul3A_20, %add3A_56 : i32
    %add3A_58 = arith.constant 96 : i32
    %add3A_59 = arith.addi %mul3A_22, %add3A_58 : i32
    %dma_start3A_60 = arith.constant 0 : i32
    %dma_start3A_61 = tpu.memref_slice %arg11[%add3A_59, %dma_start3A_60] : memref<4096x128xf32, #tpu.memory_space<vmem_shared>> -> memref<32x128xf32, #tpu.memory_space<vmem_shared>>
    %dma_start3A_62 = arith.constant 0 : i32
    %dma_start3A_63 = tpu.memref_slice %arg4[%add3A_57, %dma_start3A_62] : memref<2048x128xf32, #tpu.memory_space<hbm>> -> memref<32x128xf32, #tpu.memory_space<hbm>>
    tpu.enqueue_dma source(%dma_start3A_63 : memref<32x128xf32, #tpu.memory_space<hbm>>) target(%dma_start3A_61 : memref<32x128xf32, #tpu.memory_space<vmem_shared>>) target_semaphore(%arg16 : memref<!tpu.dma_semaphore, #tpu.memory_space<semaphore_mem>>)
    %add3A_64 = arith.constant 128 : i32
    %add3A_65 = arith.addi %mul3A_20, %add3A_64 : i32
    %add3A_66 = arith.constant 128 : i32
    %add3A_67 = arith.addi %mul3A_22, %add3A_66 : i32
    %dma_start3A_68 = arith.constant 0 : i32
    %dma_start3A_69 = tpu.memref_slice %arg11[%add3A_67, %dma_start3A_68] : memref<4096x128xf32, #tpu.memory_space<vmem_shared>> -> memref<32x128xf32, #tpu.memory_space<vmem_shared>>
    %dma_start3A_70 = arith.constant 0 : i32
    %dma_start3A_71 = tpu.memref_slice %arg4[%add3A_65, %dma_start3A_70] : memref<2048x128xf32, #tpu.memory_space<hbm>> -> memref<32x128xf32, #tpu.memory_space<hbm>>
    tpu.enqueue_dma source(%dma_start3A_71 : memref<32x128xf32, #tpu.memory_space<hbm>>) target(%dma_start3A_69 : memref<32x128xf32, #tpu.memory_space<vmem_shared>>) target_semaphore(%arg17 : memref<!tpu.dma_semaphore, #tpu.memory_space<semaphore_mem>>)
    %add3A_72 = arith.constant 160 : i32
    %add3A_73 = arith.addi %mul3A_20, %add3A_72 : i32
    %add3A_74 = arith.constant 160 : i32
    %add3A_75 = arith.addi %mul3A_22, %add3A_74 : i32
    %dma_start3A_76 = arith.constant 0 : i32
    %dma_start3A_77 = tpu.memref_slice %arg11[%add3A_75, %dma_start3A_76] : memref<4096x128xf32, #tpu.memory_space<vmem_shared>> -> memref<32x128xf32, #tpu.memory_space<vmem_shared>>
    %dma_start3A_78 = arith.constant 0 : i32
    %dma_start3A_79 = tpu.memref_slice %arg4[%add3A_73, %dma_start3A_78] : memref<2048x128xf32, #tpu.memory_space<hbm>> -> memref<32x128xf32, #tpu.memory_space<hbm>>
    tpu.enqueue_dma source(%dma_start3A_79 : memref<32x128xf32, #tpu.memory_space<hbm>>) target(%dma_start3A_77 : memref<32x128xf32, #tpu.memory_space<vmem_shared>>) target_semaphore(%arg18 : memref<!tpu.dma_semaphore, #tpu.memory_space<semaphore_mem>>)
    %add3A_80 = arith.constant 192 : i32
    %add3A_81 = arith.addi %mul3A_20, %add3A_80 : i32
    %add3A_82 = arith.constant 192 : i32
    %add3A_83 = arith.addi %mul3A_22, %add3A_82 : i32
    %dma_start3A_84 = arith.constant 0 : i32
    %dma_start3A_85 = tpu.memref_slice %arg11[%add3A_83, %dma_start3A_84] : memref<4096x128xf32, #tpu.memory_space<vmem_shared>> -> memref<32x128xf32, #tpu.memory_space<vmem_shared>>
    %dma_start3A_86 = arith.constant 0 : i32
    %dma_start3A_87 = tpu.memref_slice %arg4[%add3A_81, %dma_start3A_86] : memref<2048x128xf32, #tpu.memory_space<hbm>> -> memref<32x128xf32, #tpu.memory_space<hbm>>
    tpu.enqueue_dma source(%dma_start3A_87 : memref<32x128xf32, #tpu.memory_space<hbm>>) target(%dma_start3A_85 : memref<32x128xf32, #tpu.memory_space<vmem_shared>>) target_semaphore(%arg19 : memref<!tpu.dma_semaphore, #tpu.memory_space<semaphore_mem>>)
    %add3A_88 = arith.constant 224 : i32
    %add3A_89 = arith.addi %mul3A_20, %add3A_88 : i32
    %add3A_90 = arith.constant 224 : i32
    %add3A_91 = arith.addi %mul3A_22, %add3A_90 : i32
    %dma_start3A_92 = arith.constant 0 : i32
    %dma_start3A_93 = tpu.memref_slice %arg11[%add3A_91, %dma_start3A_92] : memref<4096x128xf32, #tpu.memory_space<vmem_shared>> -> memref<16x128xf32, #tpu.memory_space<vmem_shared>>
    %dma_start3A_94 = arith.constant 0 : i32
    %dma_start3A_95 = tpu.memref_slice %arg4[%add3A_89, %dma_start3A_94] : memref<2048x128xf32, #tpu.memory_space<hbm>> -> memref<16x128xf32, #tpu.memory_space<hbm>>
    tpu.enqueue_dma source(%dma_start3A_95 : memref<16x128xf32, #tpu.memory_space<hbm>>) target(%dma_start3A_93 : memref<16x128xf32, #tpu.memory_space<vmem_shared>>) target_semaphore(%arg20 : memref<!tpu.dma_semaphore, #tpu.memory_space<semaphore_mem>>)
    %add3A_96 = arith.constant 240 : i32
    %add3A_97 = arith.addi %mul3A_20, %add3A_96 : i32
    %add3A_98 = arith.constant 240 : i32
    %add3A_99 = arith.addi %mul3A_22, %add3A_98 : i32
    %dma_start3A_100 = arith.constant 0 : i32
    %dma_start3A_101 = tpu.memref_slice %arg11[%add3A_99, %dma_start3A_100] : memref<4096x128xf32, #tpu.memory_space<vmem_shared>> -> memref<16x128xf32, #tpu.memory_space<vmem_shared>>
    %dma_start3A_102 = arith.constant 0 : i32
    %dma_start3A_103 = tpu.memref_slice %arg4[%add3A_97, %dma_start3A_102] : memref<2048x128xf32, #tpu.memory_space<hbm>> -> memref<16x128xf32, #tpu.memory_space<hbm>>
    tpu.enqueue_dma source(%dma_start3A_103 : memref<16x128xf32, #tpu.memory_space<hbm>>) target(%dma_start3A_101 : memref<16x128xf32, #tpu.memory_space<vmem_shared>>) target_semaphore(%arg21 : memref<!tpu.dma_semaphore, #tpu.memory_space<semaphore_mem>>)
    %iota3A = tpu.iota {dimensions = array<i32: 0>} : vector<16xi32>
    %add3A_104 = arith.constant 0 : i32
    %add3A_105 = arith.addi %mul3A_22, %add3A_104 : i32
    %add3A_106 = arith.constant 0 : i32
    %add3A_107 = arith.addi %add3A_105, %add3A_106 : i32
    %add3A_108 = vector.broadcast %add3A_107 : i32 to vector<16xi32>
    %add3A_109 = arith.addi %iota3A, %add3A_108 : vector<16xi32>
    %swap3A = arith.constant 0 : i32
    %swap3A_110 = arith.index_cast %swap3A : i32 to index
    %swap3A_111 = arith.constant 0 : index
    %swap3A_112 = tpu.vector_load %arg7[%swap3A_110, %swap3A_111] {strides = array<i32>} : memref<2x48xi32, #tpu.memory_space<vmem>>, vector<1x16xi32>,
    %swap3A_113 = vector.shape_cast %swap3A_112 : vector<1x16xi32> to vector<16xi32>
    %swap3A_114 = vector.shape_cast %add3A_109 : vector<16xi32> to vector<1x16xi32>
    tpu.vector_store %arg7[%swap3A_110, %swap3A_111], %swap3A_114 {strides = array<i32>} : memref<2x48xi32, #tpu.memory_space<vmem>>, vector<1x16xi32>,
    %add3A_115 = arith.constant 0 : i32
    %add3A_116 = arith.addi %mul3A_22, %add3A_115 : i32
    %add3A_117 = arith.constant 16 : i32
    %add3A_118 = arith.addi %add3A_116, %add3A_117 : i32
    %add3A_119 = vector.broadcast %add3A_118 : i32 to vector<16xi32>
    %add3A_120 = arith.addi %iota3A, %add3A_119 : vector<16xi32>
    %swap3A_121 = arith.constant 0 : i32
    %swap3A_122 = arith.index_cast %swap3A_121 : i32 to index
    %swap3A_123 = arith.constant 16 : index
    %swap3A_124 = tpu.vector_load %arg7[%swap3A_122, %swap3A_123] {strides = array<i32>} : memref<2x48xi32, #tpu.memory_space<vmem>>, vector<1x16xi32>,
    %swap3A_125 = vector.shape_cast %swap3A_124 : vector<1x16xi32> to vector<16xi32>
    %swap3A_126 = vector.shape_cast %add3A_120 : vector<16xi32> to vector<1x16xi32>
    tpu.vector_store %arg7[%swap3A_122, %swap3A_123], %swap3A_126 {strides = array<i32>} : memref<2x48xi32, #tpu.memory_space<vmem>>, vector<1x16xi32>,
    %add3A_127 = arith.constant 0 : i32
    %add3A_128 = arith.addi %mul3A_22, %add3A_127 : i32
    %add3A_129 = arith.constant 32 : i32
    %add3A_130 = arith.addi %add3A_128, %add3A_129 : i32
    %add3A_131 = vector.broadcast %add3A_130 : i32 to vector<16xi32>
    %add3A_132 = arith.addi %iota3A, %add3A_131 : vector<16xi32>
    %swap3A_133 = arith.constant 0 : i32
    %swap3A_134 = arith.index_cast %swap3A_133 : i32 to index
    %swap3A_135 = arith.constant 32 : index
    %swap3A_136 = tpu.vector_load %arg7[%swap3A_134, %swap3A_135] {strides = array<i32>} : memref<2x48xi32, #tpu.memory_space<vmem>>, vector<1x16xi32>,
    %swap3A_137 = vector.shape_cast %swap3A_136 : vector<1x16xi32> to vector<16xi32>
    %swap3A_138 = vector.shape_cast %add3A_132 : vector<16xi32> to vector<1x16xi32>
    tpu.vector_store %arg7[%swap3A_134, %swap3A_135], %swap3A_138 {strides = array<i32>} : memref<2x48xi32, #tpu.memory_space<vmem>>, vector<1x16xi32>,
    %add3A_139 = arith.constant 48 : i32
    %add3A_140 = arith.addi %mul3A_22, %add3A_139 : i32
    %add3A_141 = arith.constant 0 : i32
    %add3A_142 = arith.addi %add3A_140, %add3A_141 : i32
    %add3A_143 = vector.broadcast %add3A_142 : i32 to vector<16xi32>
    %add3A_144 = arith.addi %iota3A, %add3A_143 : vector<16xi32>
    %swap3A_145 = arith.constant 1 : i32
    %swap3A_146 = arith.index_cast %swap3A_145 : i32 to index
    %swap3A_147 = arith.constant 0 : index
    %swap3A_148 = tpu.vector_load %arg7[%swap3A_146, %swap3A_147] {strides = array<i32>} : memref<2x48xi32, #tpu.memory_space<vmem>>, vector<1x16xi32>,
    %swap3A_149 = vector.shape_cast %swap3A_148 : vector<1x16xi32> to vector<16xi32>
    %swap3A_150 = vector.shape_cast %add3A_144 : vector<16xi32> to vector<1x16xi32>
    tpu.vector_store %arg7[%swap3A_146, %swap3A_147], %swap3A_150 {strides = array<i32>} : memref<2x48xi32, #tpu.memory_space<vmem>>, vector<1x16xi32>,
    %add3A_151 = arith.constant 48 : i32
    %add3A_152 = arith.addi %mul3A_22, %add3A_151 : i32
    %add3A_153 = arith.constant 16 : i32
    %add3A_154 = arith.addi %add3A_152, %add3A_153 : i32
    %add3A_155 = vector.broadcast %add3A_154 : i32 to vector<16xi32>
    %add3A_156 = arith.addi %iota3A, %add3A_155 : vector<16xi32>
    %swap3A_157 = arith.constant 1 : i32
    %swap3A_158 = arith.index_cast %swap3A_157 : i32 to index
    %swap3A_159 = arith.constant 16 : index
    %swap3A_160 = tpu.vector_load %arg7[%swap3A_158, %swap3A_159] {strides = array<i32>} : memref<2x48xi32, #tpu.memory_space<vmem>>, vector<1x16xi32>,
    %swap3A_161 = vector.shape_cast %swap3A_160 : vector<1x16xi32> to vector<16xi32>
    %swap3A_162 = vector.shape_cast %add3A_156 : vector<16xi32> to vector<1x16xi32>
    tpu.vector_store %arg7[%swap3A_158, %swap3A_159], %swap3A_162 {strides = array<i32>} : memref<2x48xi32, #tpu.memory_space<vmem>>, vector<1x16xi32>,
    %add3A_163 = arith.constant 48 : i32
    %add3A_164 = arith.addi %mul3A_22, %add3A_163 : i32
    %add3A_165 = arith.constant 32 : i32
    %add3A_166 = arith.addi %add3A_164, %add3A_165 : i32
    %add3A_167 = vector.broadcast %add3A_166 : i32 to vector<16xi32>
    %add3A_168 = arith.addi %iota3A, %add3A_167 : vector<16xi32>
    %swap3A_169 = arith.constant 1 : i32
    %swap3A_170 = arith.index_cast %swap3A_169 : i32 to index
    %swap3A_171 = arith.constant 32 : index
    %swap3A_172 = tpu.vector_load %arg7[%swap3A_170, %swap3A_171] {strides = array<i32>} : memref<2x48xi32, #tpu.memory_space<vmem>>, vector<1x16xi32>,
    %swap3A_173 = vector.shape_cast %swap3A_172 : vector<1x16xi32> to vector<16xi32>
    %swap3A_174 = vector.shape_cast %add3A_168 : vector<16xi32> to vector<1x16xi32>
    tpu.vector_store %arg7[%swap3A_170, %swap3A_171], %swap3A_174 {strides = array<i32>} : memref<2x48xi32, #tpu.memory_space<vmem>>, vector<1x16xi32>,
    %add3A_175 = arith.constant 96 : i32
    %add3A_176 = arith.addi %mul3A_22, %add3A_175 : i32
    %add3A_177 = arith.constant 0 : i32
    %add3A_178 = arith.addi %add3A_176, %add3A_177 : i32
    %add3A_179 = vector.broadcast %add3A_178 : i32 to vector<16xi32>
    %add3A_180 = arith.addi %iota3A, %add3A_179 : vector<16xi32>
    %swap3A_181 = arith.constant 0 : i32
    %swap3A_182 = arith.index_cast %swap3A_181 : i32 to index
    %swap3A_183 = arith.constant 0 : index
    %swap3A_184 = tpu.vector_load %arg8[%swap3A_182, %swap3A_183] {strides = array<i32>} : memref<4x32xi32, #tpu.memory_space<vmem>>, vector<1x16xi32>,
    %swap3A_185 = vector.shape_cast %swap3A_184 : vector<1x16xi32> to vector<16xi32>
    %swap3A_186 = vector.shape_cast %add3A_180 : vector<16xi32> to vector<1x16xi32>
    tpu.vector_store %arg8[%swap3A_182, %swap3A_183], %swap3A_186 {strides = array<i32>} : memref<4x32xi32, #tpu.memory_space<vmem>>, vector<1x16xi32>,
    %add3A_187 = arith.constant 96 : i32
    %add3A_188 = arith.addi %mul3A_22, %add3A_187 : i32
    %add3A_189 = arith.constant 16 : i32
    %add3A_190 = arith.addi %add3A_188, %add3A_189 : i32
    %add3A_191 = vector.broadcast %add3A_190 : i32 to vector<16xi32>
    %add3A_192 = arith.addi %iota3A, %add3A_191 : vector<16xi32>
    %swap3A_193 = arith.constant 0 : i32
    %swap3A_194 = arith.index_cast %swap3A_193 : i32 to index
    %swap3A_195 = arith.constant 16 : index
    %swap3A_196 = tpu.vector_load %arg8[%swap3A_194, %swap3A_195] {strides = array<i32>} : memref<4x32xi32, #tpu.memory_space<vmem>>, vector<1x16xi32>,
    %swap3A_197 = vector.shape_cast %swap3A_196 : vector<1x16xi32> to vector<16xi32>
    %swap3A_198 = vector.shape_cast %add3A_192 : vector<16xi32> to vector<1x16xi32>
    tpu.vector_store %arg8[%swap3A_194, %swap3A_195], %swap3A_198 {strides = array<i32>} : memref<4x32xi32, #tpu.memory_space<vmem>>, vector<1x16xi32>,
    %add3A_199 = arith.constant 128 : i32
    %add3A_200 = arith.addi %mul3A_22, %add3A_199 : i32
    %add3A_201 = arith.constant 0 : i32
    %add3A_202 = arith.addi %add3A_200, %add3A_201 : i32
    %add3A_203 = vector.broadcast %add3A_202 : i32 to vector<16xi32>
    %add3A_204 = arith.addi %iota3A, %add3A_203 : vector<16xi32>
    %swap3A_205 = arith.constant 1 : i32
    %swap3A_206 = arith.index_cast %swap3A_205 : i32 to index
    %swap3A_207 = arith.constant 0 : index
    %swap3A_208 = tpu.vector_load %arg8[%swap3A_206, %swap3A_207] {strides = array<i32>} : memref<4x32xi32, #tpu.memory_space<vmem>>, vector<1x16xi32>,
    %swap3A_209 = vector.shape_cast %swap3A_208 : vector<1x16xi32> to vector<16xi32>
    %swap3A_210 = vector.shape_cast %add3A_204 : vector<16xi32> to vector<1x16xi32>
    tpu.vector_store %arg8[%swap3A_206, %swap3A_207], %swap3A_210 {strides = array<i32>} : memref<4x32xi32, #tpu.memory_space<vmem>>, vector<1x16xi32>,
    %add3A_211 = arith.constant 128 : i32
    %add3A_212 = arith.addi %mul3A_22, %add3A_211 : i32
    %add3A_213 = arith.constant 16 : i32
    %add3A_214 = arith.addi %add3A_212, %add3A_213 : i32
    %add3A_215 = vector.broadcast %add3A_214 : i32 to vector<16xi32>
    %add3A_216 = arith.addi %iota3A, %add3A_215 : vector<16xi32>
    %swap3A_217 = arith.constant 1 : i32
    %swap3A_218 = arith.index_cast %swap3A_217 : i32 to index
    %swap3A_219 = arith.constant 16 : index
    %swap3A_220 = tpu.vector_load %arg8[%swap3A_218, %swap3A_219] {strides = array<i32>} : memref<4x32xi32, #tpu.memory_space<vmem>>, vector<1x16xi32>,
    %swap3A_221 = vector.shape_cast %swap3A_220 : vector<1x16xi32> to vector<16xi32>
    %swap3A_222 = vector.shape_cast %add3A_216 : vector<16xi32> to vector<1x16xi32>
    tpu.vector_store %arg8[%swap3A_218, %swap3A_219], %swap3A_222 {strides = array<i32>} : memref<4x32xi32, #tpu.memory_space<vmem>>, vector<1x16xi32>,
    %add3A_223 = arith.constant 160 : i32
    %add3A_224 = arith.addi %mul3A_22, %add3A_223 : i32
    %add3A_225 = arith.constant 0 : i32
    %add3A_226 = arith.addi %add3A_224, %add3A_225 : i32
    %add3A_227 = vector.broadcast %add3A_226 : i32 to vector<16xi32>
    %add3A_228 = arith.addi %iota3A, %add3A_227 : vector<16xi32>
    %swap3A_229 = arith.constant 2 : i32
    %swap3A_230 = arith.index_cast %swap3A_229 : i32 to index
    %swap3A_231 = arith.constant 0 : index
    %swap3A_232 = tpu.vector_load %arg8[%swap3A_230, %swap3A_231] {strides = array<i32>} : memref<4x32xi32, #tpu.memory_space<vmem>>, vector<1x16xi32>,
    %swap3A_233 = vector.shape_cast %swap3A_232 : vector<1x16xi32> to vector<16xi32>
    %swap3A_234 = vector.shape_cast %add3A_228 : vector<16xi32> to vector<1x16xi32>
    tpu.vector_store %arg8[%swap3A_230, %swap3A_231], %swap3A_234 {strides = array<i32>} : memref<4x32xi32, #tpu.memory_space<vmem>>, vector<1x16xi32>,
    %add3A_235 = arith.constant 160 : i32
    %add3A_236 = arith.addi %mul3A_22, %add3A_235 : i32
    %add3A_237 = arith.constant 16 : i32
    %add3A_238 = arith.addi %add3A_236, %add3A_237 : i32
    %add3A_239 = vector.broadcast %add3A_238 : i32 to vector<16xi32>
    %add3A_240 = arith.addi %iota3A, %add3A_239 : vector<16xi32>
    %swap3A_241 = arith.constant 2 : i32
    %swap3A_242 = arith.index_cast %swap3A_241 : i32 to index
    %swap3A_243 = arith.constant 16 : index
    %swap3A_244 = tpu.vector_load %arg8[%swap3A_242, %swap3A_243] {strides = array<i32>} : memref<4x32xi32, #tpu.memory_space<vmem>>, vector<1x16xi32>,
    %swap3A_245 = vector.shape_cast %swap3A_244 : vector<1x16xi32> to vector<16xi32>
    %swap3A_246 = vector.shape_cast %add3A_240 : vector<16xi32> to vector<1x16xi32>
    tpu.vector_store %arg8[%swap3A_242, %swap3A_243], %swap3A_246 {strides = array<i32>} : memref<4x32xi32, #tpu.memory_space<vmem>>, vector<1x16xi32>,
    %add3A_247 = arith.constant 192 : i32
    %add3A_248 = arith.addi %mul3A_22, %add3A_247 : i32
    %add3A_249 = arith.constant 0 : i32
    %add3A_250 = arith.addi %add3A_248, %add3A_249 : i32
    %add3A_251 = vector.broadcast %add3A_250 : i32 to vector<16xi32>
    %add3A_252 = arith.addi %iota3A, %add3A_251 : vector<16xi32>
    %swap3A_253 = arith.constant 3 : i32
    %swap3A_254 = arith.index_cast %swap3A_253 : i32 to index
    %swap3A_255 = arith.constant 0 : index
    %swap3A_256 = tpu.vector_load %arg8[%swap3A_254, %swap3A_255] {strides = array<i32>} : memref<4x32xi32, #tpu.memory_space<vmem>>, vector<1x16xi32>,
    %swap3A_257 = vector.shape_cast %swap3A_256 : vector<1x16xi32> to vector<16xi32>
    %swap3A_258 = vector.shape_cast %add3A_252 : vector<16xi32> to vector<1x16xi32>
    tpu.vector_store %arg8[%swap3A_254, %swap3A_255], %swap3A_258 {strides = array<i32>} : memref<4x32xi32, #tpu.memory_space<vmem>>, vector<1x16xi32>,
    %add3A_259 = arith.constant 192 : i32
    %add3A_260 = arith.addi %mul3A_22, %add3A_259 : i32
    %add3A_261 = arith.constant 16 : i32
    %add3A_262 = arith.addi %add3A_260, %add3A_261 : i32
    %add3A_263 = vector.broadcast %add3A_262 : i32 to vector<16xi32>
    %add3A_264 = arith.addi %iota3A, %add3A_263 : vector<16xi32>
    %swap3A_265 = arith.constant 3 : i32
    %swap3A_266 = arith.index_cast %swap3A_265 : i32 to index
    %swap3A_267 = arith.constant 16 : index
    %swap3A_268 = tpu.vector_load %arg8[%swap3A_266, %swap3A_267] {strides = array<i32>} : memref<4x32xi32, #tpu.memory_space<vmem>>, vector<1x16xi32>,
    %swap3A_269 = vector.shape_cast %swap3A_268 : vector<1x16xi32> to vector<16xi32>
    %swap3A_270 = vector.shape_cast %add3A_264 : vector<16xi32> to vector<1x16xi32>
    tpu.vector_store %arg8[%swap3A_266, %swap3A_267], %swap3A_270 {strides = array<i32>} : memref<4x32xi32, #tpu.memory_space<vmem>>, vector<1x16xi32>,
    %add3A_271 = arith.constant 224 : i32
    %add3A_272 = arith.addi %mul3A_22, %add3A_271 : i32
    %add3A_273 = arith.constant 0 : i32
    %add3A_274 = arith.addi %add3A_272, %add3A_273 : i32
    %add3A_275 = vector.broadcast %add3A_274 : i32 to vector<16xi32>
    %add3A_276 = arith.addi %iota3A, %add3A_275 : vector<16xi32>
    %swap3A_277 = arith.constant 0 : i32
    %swap3A_278 = arith.index_cast %swap3A_277 : i32 to index
    %swap3A_279 = arith.constant 0 : index
    %swap3A_280 = tpu.vector_load %arg9[%swap3A_278, %swap3A_279] {strides = array<i32>} : memref<2x16xi32, #tpu.memory_space<vmem>>, vector<1x16xi32>,
    %swap3A_281 = vector.shape_cast %swap3A_280 : vector<1x16xi32> to vector<16xi32>
    %swap3A_282 = vector.shape_cast %add3A_276 : vector<16xi32> to vector<1x16xi32>
    tpu.vector_store %arg9[%swap3A_278, %swap3A_279], %swap3A_282 {strides = array<i32>} : memref<2x16xi32, #tpu.memory_space<vmem>>, vector<1x16xi32>,
    %add3A_283 = arith.constant 240 : i32
    %add3A_284 = arith.addi %mul3A_22, %add3A_283 : i32
    %add3A_285 = arith.constant 0 : i32
    %add3A_286 = arith.addi %add3A_284, %add3A_285 : i32
    %add3A_287 = vector.broadcast %add3A_286 : i32 to vector<16xi32>
    %add3A_288 = arith.addi %iota3A, %add3A_287 : vector<16xi32>
    %swap3A_289 = arith.constant 1 : i32
    %swap3A_290 = arith.index_cast %swap3A_289 : i32 to index
    %swap3A_291 = arith.constant 0 : index
    %swap3A_292 = tpu.vector_load %arg9[%swap3A_290, %swap3A_291] {strides = array<i32>} : memref<2x16xi32, #tpu.memory_space<vmem>>, vector<1x16xi32>,
    %swap3A_293 = vector.shape_cast %swap3A_292 : vector<1x16xi32> to vector<16xi32>
    %swap3A_294 = vector.shape_cast %add3A_288 : vector<16xi32> to vector<1x16xi32>
    tpu.vector_store %arg9[%swap3A_290, %swap3A_291], %swap3A_294 {strides = array<i32>} : memref<2x16xi32, #tpu.memory_space<vmem>>, vector<1x16xi32>,
    %dma_wait3A = arith.constant 0 : i32
    %dma_wait3A_295 = tpu.memref_slice %arg6[%dma_wait3A] : memref<256xi32, #tpu.memory_space<vmem>> -> memref<128xi32, #tpu.memory_space<vmem>>
    %dma_wait3A_296 = tpu.memref_slice %arg2[%select_n3A, %mul3A_20] : memref<4x2048xi32, #tpu.memory_space<hbm>> -> memref<1x128xi32, #tpu.memory_space<hbm>>
    %dma_wait3A_297 = tpu.memref_squeeze %dma_wait3A_296 : memref<1x128xi32, #tpu.memory_space<hbm>> -> memref<128xi32, #tpu.memory_space<hbm>>
    %dma_wait3A_298 = arith.constant 0 : i32
    %dma_wait3A_299 = tpu.memref_slice %arg6[%dma_wait3A_298] : memref<256xi32, #tpu.memory_space<vmem>> -> memref<128xi32, #tpu.memory_space<vmem>>
    %dma_wait3A_300 = tpu.memref_slice %arg2[%select_n3A, %mul3A_20] : memref<4x2048xi32, #tpu.memory_space<hbm>> -> memref<1x128xi32, #tpu.memory_space<hbm>>
    %dma_wait3A_301 = tpu.memref_squeeze %dma_wait3A_300 : memref<1x128xi32, #tpu.memory_space<hbm>> -> memref<128xi32, #tpu.memory_space<hbm>>
    tpu.wait_dma2 semaphore(%arg12 : memref<!tpu.dma_semaphore, #tpu.memory_space<semaphore_mem>>) src(%dma_wait3A_301 : memref<128xi32, #tpu.memory_space<hbm>>) dst(%dma_wait3A_299 : memref<128xi32, #tpu.memory_space<vmem>>)
    %dma_start3A_302 = arith.constant 0 : i32
    %dma_start3A_303 = arith.constant 0 : i32
    %dma_start3A_304 = tpu.memref_slice %arg10[%dma_start3A_302, %dma_start3A_303] : memref<256x128xf32, #tpu.memory_space<vmem>> -> memref<48x128xf32, #tpu.memory_space<vmem>>
    %dma_start3A_305 = arith.constant 0 : i32
    %dma_start3A_306 = tpu.memref_slice %arg6[%dma_start3A_305] : memref<256xi32, #tpu.memory_space<vmem>> -> memref<48xi32, #tpu.memory_space<vmem>>
    %dma_start3A_307 = arith.constant 0 : i32
    %dma_start3A_308 = arith.constant 0 : i32
    %dma_start3A_309 = tpu.memref_slice %arg3[%dma_start3A_307, %dma_start3A_308] : memref<100000x128xf32, #tpu.memory_space<hbm>> -> memref<100000x128xf32, #tpu.memory_space<hbm>>
    tpu.enqueue_indirect_dma source(%dma_start3A_309 : memref<100000x128xf32, #tpu.memory_space<hbm>>) target(%dma_start3A_304 : memref<48x128xf32, #tpu.memory_space<vmem>>) offsets(%dma_start3A_306 : memref<48xi32, #tpu.memory_space<vmem>>) semaphore(%arg14 : memref<!tpu.dma_semaphore, #tpu.memory_space<semaphore_mem>>)
    %dma_start3A_310 = arith.constant 48 : i32
    %dma_start3A_311 = arith.constant 0 : i32
    %dma_start3A_312 = tpu.memref_slice %arg10[%dma_start3A_310, %dma_start3A_311] : memref<256x128xf32, #tpu.memory_space<vmem>> -> memref<48x128xf32, #tpu.memory_space<vmem>>
    %dma_start3A_313 = arith.constant 48 : i32
    %dma_start3A_314 = tpu.memref_slice %arg6[%dma_start3A_313] : memref<256xi32, #tpu.memory_space<vmem>> -> memref<48xi32, #tpu.memory_space<vmem>>
    %dma_start3A_315 = arith.constant 0 : i32
    %dma_start3A_316 = arith.constant 0 : i32
    %dma_start3A_317 = tpu.memref_slice %arg3[%dma_start3A_315, %dma_start3A_316] : memref<100000x128xf32, #tpu.memory_space<hbm>> -> memref<100000x128xf32, #tpu.memory_space<hbm>>
    tpu.enqueue_indirect_dma source(%dma_start3A_317 : memref<100000x128xf32, #tpu.memory_space<hbm>>) target(%dma_start3A_312 : memref<48x128xf32, #tpu.memory_space<vmem>>) offsets(%dma_start3A_314 : memref<48xi32, #tpu.memory_space<vmem>>) semaphore(%arg15 : memref<!tpu.dma_semaphore, #tpu.memory_space<semaphore_mem>>)
    %dma_start3A_318 = arith.constant 96 : i32
    %dma_start3A_319 = arith.constant 0 : i32
    %dma_start3A_320 = tpu.memref_slice %arg10[%dma_start3A_318, %dma_start3A_319] : memref<256x128xf32, #tpu.memory_space<vmem>> -> memref<32x128xf32, #tpu.memory_space<vmem>>
    %dma_start3A_321 = arith.constant 96 : i32
    %dma_start3A_322 = tpu.memref_slice %arg6[%dma_start3A_321] : memref<256xi32, #tpu.memory_space<vmem>> -> memref<32xi32, #tpu.memory_space<vmem>>
    %dma_start3A_323 = arith.constant 0 : i32
    %dma_start3A_324 = arith.constant 0 : i32
    %dma_start3A_325 = tpu.memref_slice %arg3[%dma_start3A_323, %dma_start3A_324] : memref<100000x128xf32, #tpu.memory_space<hbm>> -> memref<100000x128xf32, #tpu.memory_space<hbm>>
    tpu.enqueue_indirect_dma source(%dma_start3A_325 : memref<100000x128xf32, #tpu.memory_space<hbm>>) target(%dma_start3A_320 : memref<32x128xf32, #tpu.memory_space<vmem>>) offsets(%dma_start3A_322 : memref<32xi32, #tpu.memory_space<vmem>>) semaphore(%arg16 : memref<!tpu.dma_semaphore, #tpu.memory_space<semaphore_mem>>)
    %dma_wait3A_326 = arith.constant 128 : i32
    %dma_wait3A_327 = tpu.memref_slice %arg6[%dma_wait3A_326] : memref<256xi32, #tpu.memory_space<vmem>> -> memref<128xi32, #tpu.memory_space<vmem>>
    %dma_wait3A_328 = tpu.memref_slice %arg2[%select_n3A, %add3A_31] : memref<4x2048xi32, #tpu.memory_space<hbm>> -> memref<1x128xi32, #tpu.memory_space<hbm>>
    %dma_wait3A_329 = tpu.memref_squeeze %dma_wait3A_328 : memref<1x128xi32, #tpu.memory_space<hbm>> -> memref<128xi32, #tpu.memory_space<hbm>>
    %dma_wait3A_330 = arith.constant 128 : i32
    %dma_wait3A_331 = tpu.memref_slice %arg6[%dma_wait3A_330] : memref<256xi32, #tpu.memory_space<vmem>> -> memref<128xi32, #tpu.memory_space<vmem>>
    %dma_wait3A_332 = tpu.memref_slice %arg2[%select_n3A, %add3A_31] : memref<4x2048xi32, #tpu.memory_space<hbm>> -> memref<1x128xi32, #tpu.memory_space<hbm>>
    %dma_wait3A_333 = tpu.memref_squeeze %dma_wait3A_332 : memref<1x128xi32, #tpu.memory_space<hbm>> -> memref<128xi32, #tpu.memory_space<hbm>>
    tpu.wait_dma2 semaphore(%arg13 : memref<!tpu.dma_semaphore, #tpu.memory_space<semaphore_mem>>) src(%dma_wait3A_333 : memref<128xi32, #tpu.memory_space<hbm>>) dst(%dma_wait3A_331 : memref<128xi32, #tpu.memory_space<vmem>>)
    %dma_start3A_334 = arith.constant 128 : i32
    %dma_start3A_335 = arith.constant 0 : i32
    %dma_start3A_336 = tpu.memref_slice %arg10[%dma_start3A_334, %dma_start3A_335] : memref<256x128xf32, #tpu.memory_space<vmem>> -> memref<32x128xf32, #tpu.memory_space<vmem>>
    %dma_start3A_337 = arith.constant 128 : i32
    %dma_start3A_338 = tpu.memref_slice %arg6[%dma_start3A_337] : memref<256xi32, #tpu.memory_space<vmem>> -> memref<32xi32, #tpu.memory_space<vmem>>
    %dma_start3A_339 = arith.constant 0 : i32
    %dma_start3A_340 = arith.constant 0 : i32
    %dma_start3A_341 = tpu.memref_slice %arg3[%dma_start3A_339, %dma_start3A_340] : memref<100000x128xf32, #tpu.memory_space<hbm>> -> memref<100000x128xf32, #tpu.memory_space<hbm>>
    tpu.enqueue_indirect_dma source(%dma_start3A_341 : memref<100000x128xf32, #tpu.memory_space<hbm>>) target(%dma_start3A_336 : memref<32x128xf32, #tpu.memory_space<vmem>>) offsets(%dma_start3A_338 : memref<32xi32, #tpu.memory_space<vmem>>) semaphore(%arg17 : memref<!tpu.dma_semaphore, #tpu.memory_space<semaphore_mem>>)
    %dma_start3A_342 = arith.constant 160 : i32
    %dma_start3A_343 = arith.constant 0 : i32
    %dma_start3A_344 = tpu.memref_slice %arg10[%dma_start3A_342, %dma_start3A_343] : memref<256x128xf32, #tpu.memory_space<vmem>> -> memref<32x128xf32, #tpu.memory_space<vmem>>
    %dma_start3A_345 = arith.constant 160 : i32
    %dma_start3A_346 = tpu.memref_slice %arg6[%dma_start3A_345] : memref<256xi32, #tpu.memory_space<vmem>> -> memref<32xi32, #tpu.memory_space<vmem>>
    %dma_start3A_347 = arith.constant 0 : i32
    %dma_start3A_348 = arith.constant 0 : i32
    %dma_start3A_349 = tpu.memref_slice %arg3[%dma_start3A_347, %dma_start3A_348] : memref<100000x128xf32, #tpu.memory_space<hbm>> -> memref<100000x128xf32, #tpu.memory_space<hbm>>
    tpu.enqueue_indirect_dma source(%dma_start3A_349 : memref<100000x128xf32, #tpu.memory_space<hbm>>) target(%dma_start3A_344 : memref<32x128xf32, #tpu.memory_space<vmem>>) offsets(%dma_start3A_346 : memref<32xi32, #tpu.memory_space<vmem>>) semaphore(%arg18 : memref<!tpu.dma_semaphore, #tpu.memory_space<semaphore_mem>>)
    %dma_start3A_350 = arith.constant 192 : i32
    %dma_start3A_351 = arith.constant 0 : i32
    %dma_start3A_352 = tpu.memref_slice %arg10[%dma_start3A_350, %dma_start3A_351] : memref<256x128xf32, #tpu.memory_space<vmem>> -> memref<32x128xf32, #tpu.memory_space<vmem>>
    %dma_start3A_353 = arith.constant 192 : i32
    %dma_start3A_354 = tpu.memref_slice %arg6[%dma_start3A_353] : memref<256xi32, #tpu.memory_space<vmem>> -> memref<32xi32, #tpu.memory_space<vmem>>
    %dma_start3A_355 = arith.constant 0 : i32
    %dma_start3A_356 = arith.constant 0 : i32
    %dma_start3A_357 = tpu.memref_slice %arg3[%dma_start3A_355, %dma_start3A_356] : memref<100000x128xf32, #tpu.memory_space<hbm>> -> memref<100000x128xf32, #tpu.memory_space<hbm>>
    tpu.enqueue_indirect_dma source(%dma_start3A_357 : memref<100000x128xf32, #tpu.memory_space<hbm>>) target(%dma_start3A_352 : memref<32x128xf32, #tpu.memory_space<vmem>>) offsets(%dma_start3A_354 : memref<32xi32, #tpu.memory_space<vmem>>) semaphore(%arg19 : memref<!tpu.dma_semaphore, #tpu.memory_space<semaphore_mem>>)
    %dma_start3A_358 = arith.constant 224 : i32
    %dma_start3A_359 = arith.constant 0 : i32
    %dma_start3A_360 = tpu.memref_slice %arg10[%dma_start3A_358, %dma_start3A_359] : memref<256x128xf32, #tpu.memory_space<vmem>> -> memref<16x128xf32, #tpu.memory_space<vmem>>
    %dma_start3A_361 = arith.constant 224 : i32
    %dma_start3A_362 = tpu.memref_slice %arg6[%dma_start3A_361] : memref<256xi32, #tpu.memory_space<vmem>> -> memref<16xi32, #tpu.memory_space<vmem>>
    %dma_start3A_363 = arith.constant 0 : i32
    %dma_start3A_364 = arith.constant 0 : i32
    %dma_start3A_365 = tpu.memref_slice %arg3[%dma_start3A_363, %dma_start3A_364] : memref<100000x128xf32, #tpu.memory_space<hbm>> -> memref<100000x128xf32, #tpu.memory_space<hbm>>
    tpu.enqueue_indirect_dma source(%dma_start3A_365 : memref<100000x128xf32, #tpu.memory_space<hbm>>) target(%dma_start3A_360 : memref<16x128xf32, #tpu.memory_space<vmem>>) offsets(%dma_start3A_362 : memref<16xi32, #tpu.memory_space<vmem>>) semaphore(%arg20 : memref<!tpu.dma_semaphore, #tpu.memory_space<semaphore_mem>>)
    %dma_start3A_366 = arith.constant 240 : i32
    %dma_start3A_367 = arith.constant 0 : i32
    %dma_start3A_368 = tpu.memref_slice %arg10[%dma_start3A_366, %dma_start3A_367] : memref<256x128xf32, #tpu.memory_space<vmem>> -> memref<16x128xf32, #tpu.memory_space<vmem>>
    %dma_start3A_369 = arith.constant 240 : i32
    %dma_start3A_370 = tpu.memref_slice %arg6[%dma_start3A_369] : memref<256xi32, #tpu.memory_space<vmem>> -> memref<16xi32, #tpu.memory_space<vmem>>
    %dma_start3A_371 = arith.constant 0 : i32
    %dma_start3A_372 = arith.constant 0 : i32
    %dma_start3A_373 = tpu.memref_slice %arg3[%dma_start3A_371, %dma_start3A_372] : memref<100000x128xf32, #tpu.memory_space<hbm>> -> memref<100000x128xf32, #tpu.memory_space<hbm>>
    tpu.enqueue_indirect_dma source(%dma_start3A_373 : memref<100000x128xf32, #tpu.memory_space<hbm>>) target(%dma_start3A_368 : memref<16x128xf32, #tpu.memory_space<vmem>>) offsets(%dma_start3A_370 : memref<16xi32, #tpu.memory_space<vmem>>) semaphore(%arg21 : memref<!tpu.dma_semaphore, #tpu.memory_space<semaphore_mem>>)
    %dma_wait3A_374 = arith.constant 0 : i32
    %dma_wait3A_375 = tpu.memref_slice %arg11[%add3A_43, %dma_wait3A_374] : memref<4096x128xf32, #tpu.memory_space<vmem_shared>> -> memref<48x128xf32, #tpu.memory_space<vmem_shared>>
    %dma_wait3A_376 = arith.constant 0 : i32
    %dma_wait3A_377 = tpu.memref_slice %arg4[%add3A_41, %dma_wait3A_376] : memref<2048x128xf32, #tpu.memory_space<hbm>> -> memref<48x128xf32, #tpu.memory_space<hbm>>
    tpu.wait_dma2 semaphore(%arg14 : memref<!tpu.dma_semaphore, #tpu.memory_space<semaphore_mem>>) src(%dma_wait3A_377 : memref<48x128xf32, #tpu.memory_space<hbm>>) dst(%dma_wait3A_375 : memref<48x128xf32, #tpu.memory_space<vmem_shared>>)
    %dma_wait3A_378 = arith.constant 0 : i32
    %dma_wait3A_379 = arith.constant 0 : i32
    %dma_wait3A_380 = tpu.memref_slice %arg10[%dma_wait3A_378, %dma_wait3A_379] : memref<256x128xf32, #tpu.memory_space<vmem>> -> memref<48x128xf32, #tpu.memory_space<vmem>>
    %dma_wait3A_381 = arith.constant 0 : i32
    %dma_wait3A_382 = tpu.memref_slice %arg6[%dma_wait3A_381] : memref<256xi32, #tpu.memory_space<vmem>> -> memref<48xi32, #tpu.memory_space<vmem>>
    %dma_wait3A_383 = arith.constant 0 : i32
    %dma_wait3A_384 = arith.constant 0 : i32
    %dma_wait3A_385 = tpu.memref_slice %arg3[%dma_wait3A_383, %dma_wait3A_384] : memref<100000x128xf32, #tpu.memory_space<hbm>> -> memref<100000x128xf32, #tpu.memory_space<hbm>>
    tpu.wait_indirect_dma semaphore(%arg14 : memref<!tpu.dma_semaphore, #tpu.memory_space<semaphore_mem>>) src(%dma_wait3A_385 : memref<100000x128xf32, #tpu.memory_space<hbm>>) dst(%dma_wait3A_380 : memref<48x128xf32, #tpu.memory_space<vmem>>)
    %dma_start3A_386 = arith.constant 0 : i32
    %dma_start3A_387 = arith.constant 0 : i32
    %dma_start3A_388 = arith.constant 0 : i32
    %dma_start3A_389 = tpu.memref_slice %arg10[%dma_start3A_387, %dma_start3A_388] : memref<256x128xf32, #tpu.memory_space<vmem>> -> memref<48x128xf32, #tpu.memory_space<vmem>>
    %dma_start3A_390 = arith.constant 0 : i32
    %dma_start3A_391 = tpu.memref_slice %arg7[%dma_start3A_386, %dma_start3A_390] : memref<2x48xi32, #tpu.memory_space<vmem>> -> memref<1x48xi32, #tpu.memory_space<vmem>>
    %dma_start3A_392 = tpu.memref_squeeze %dma_start3A_391 : memref<1x48xi32, #tpu.memory_space<vmem>> -> memref<48xi32, #tpu.memory_space<vmem>>
    %dma_start3A_393 = arith.constant 0 : i32
    %dma_start3A_394 = arith.constant 0 : i32
    %dma_start3A_395 = tpu.memref_slice %arg11[%dma_start3A_393, %dma_start3A_394] : memref<4096x128xf32, #tpu.memory_space<vmem_shared>> -> memref<4096x128xf32, #tpu.memory_space<vmem_shared>>
    tpu.enqueue_indirect_dma source(%dma_start3A_389 : memref<48x128xf32, #tpu.memory_space<vmem>>) target(%dma_start3A_395 : memref<4096x128xf32, #tpu.memory_space<vmem_shared>>) offsets(%dma_start3A_392 : memref<48xi32, #tpu.memory_space<vmem>>) semaphore(%arg14 : memref<!tpu.dma_semaphore, #tpu.memory_space<semaphore_mem>>) {add = true}
    %dma_wait3A_396 = arith.constant 0 : i32
    %dma_wait3A_397 = tpu.memref_slice %arg11[%add3A_51, %dma_wait3A_396] : memref<4096x128xf32, #tpu.memory_space<vmem_shared>> -> memref<48x128xf32, #tpu.memory_space<vmem_shared>>
    %dma_wait3A_398 = arith.constant 0 : i32
    %dma_wait3A_399 = tpu.memref_slice %arg4[%add3A_49, %dma_wait3A_398] : memref<2048x128xf32, #tpu.memory_space<hbm>> -> memref<48x128xf32, #tpu.memory_space<hbm>>
    tpu.wait_dma2 semaphore(%arg15 : memref<!tpu.dma_semaphore, #tpu.memory_space<semaphore_mem>>) src(%dma_wait3A_399 : memref<48x128xf32, #tpu.memory_space<hbm>>) dst(%dma_wait3A_397 : memref<48x128xf32, #tpu.memory_space<vmem_shared>>)
    %dma_wait3A_400 = arith.constant 48 : i32
    %dma_wait3A_401 = arith.constant 0 : i32
    %dma_wait3A_402 = tpu.memref_slice %arg10[%dma_wait3A_400, %dma_wait3A_401] : memref<256x128xf32, #tpu.memory_space<vmem>> -> memref<48x128xf32, #tpu.memory_space<vmem>>
    %dma_wait3A_403 = arith.constant 48 : i32
    %dma_wait3A_404 = tpu.memref_slice %arg6[%dma_wait3A_403] : memref<256xi32, #tpu.memory_space<vmem>> -> memref<48xi32, #tpu.memory_space<vmem>>
    %dma_wait3A_405 = arith.constant 0 : i32
    %dma_wait3A_406 = arith.constant 0 : i32
    %dma_wait3A_407 = tpu.memref_slice %arg3[%dma_wait3A_405, %dma_wait3A_406] : memref<100000x128xf32, #tpu.memory_space<hbm>> -> memref<100000x128xf32, #tpu.memory_space<hbm>>
    tpu.wait_indirect_dma semaphore(%arg15 : memref<!tpu.dma_semaphore, #tpu.memory_space<semaphore_mem>>) src(%dma_wait3A_407 : memref<100000x128xf32, #tpu.memory_space<hbm>>) dst(%dma_wait3A_402 : memref<48x128xf32, #tpu.memory_space<vmem>>)
    %dma_start3A_408 = arith.constant 1 : i32
    %dma_start3A_409 = arith.constant 48 : i32
    %dma_start3A_410 = arith.constant 0 : i32
    %dma_start3A_411 = tpu.memref_slice %arg10[%dma_start3A_409, %dma_start3A_410] : memref<256x128xf32, #tpu.memory_space<vmem>> -> memref<48x128xf32, #tpu.memory_space<vmem>>
    %dma_start3A_412 = arith.constant 0 : i32
    %dma_start3A_413 = tpu.memref_slice %arg7[%dma_start3A_408, %dma_start3A_412] : memref<2x48xi32, #tpu.memory_space<vmem>> -> memref<1x48xi32, #tpu.memory_space<vmem>>
    %dma_start3A_414 = tpu.memref_squeeze %dma_start3A_413 : memref<1x48xi32, #tpu.memory_space<vmem>> -> memref<48xi32, #tpu.memory_space<vmem>>
    %dma_start3A_415 = arith.constant 0 : i32
    %dma_start3A_416 = arith.constant 0 : i32
    %dma_start3A_417 = tpu.memref_slice %arg11[%dma_start3A_415, %dma_start3A_416] : memref<4096x128xf32, #tpu.memory_space<vmem_shared>> -> memref<4096x128xf32, #tpu.memory_space<vmem_shared>>
    tpu.enqueue_indirect_dma source(%dma_start3A_411 : memref<48x128xf32, #tpu.memory_space<vmem>>) target(%dma_start3A_417 : memref<4096x128xf32, #tpu.memory_space<vmem_shared>>) offsets(%dma_start3A_414 : memref<48xi32, #tpu.memory_space<vmem>>) semaphore(%arg15 : memref<!tpu.dma_semaphore, #tpu.memory_space<semaphore_mem>>) {add = true}
    %dma_wait3A_418 = arith.constant 0 : i32
    %dma_wait3A_419 = arith.constant 0 : i32
    %dma_wait3A_420 = arith.constant 0 : i32
    %dma_wait3A_421 = tpu.memref_slice %arg10[%dma_wait3A_419, %dma_wait3A_420] : memref<256x128xf32, #tpu.memory_space<vmem>> -> memref<48x128xf32, #tpu.memory_space<vmem>>
    %dma_wait3A_422 = arith.constant 0 : i32
    %dma_wait3A_423 = tpu.memref_slice %arg7[%dma_wait3A_418, %dma_wait3A_422] : memref<2x48xi32, #tpu.memory_space<vmem>> -> memref<1x48xi32, #tpu.memory_space<vmem>>
    %dma_wait3A_424 = tpu.memref_squeeze %dma_wait3A_423 : memref<1x48xi32, #tpu.memory_space<vmem>> -> memref<48xi32, #tpu.memory_space<vmem>>
    %dma_wait3A_425 = arith.constant 0 : i32
    %dma_wait3A_426 = arith.constant 0 : i32
    %dma_wait3A_427 = tpu.memref_slice %arg11[%dma_wait3A_425, %dma_wait3A_426] : memref<4096x128xf32, #tpu.memory_space<vmem_shared>> -> memref<4096x128xf32, #tpu.memory_space<vmem_shared>>
    tpu.wait_indirect_dma semaphore(%arg14 : memref<!tpu.dma_semaphore, #tpu.memory_space<semaphore_mem>>) src(%dma_wait3A_421 : memref<48x128xf32, #tpu.memory_space<vmem>>) dst(%dma_wait3A_427 : memref<4096x128xf32, #tpu.memory_space<vmem_shared>>)
    %add3A_428 = arith.constant 0 : i32
    %add3A_429 = arith.addi %mul3A_22, %add3A_428 : i32
    %add3A_430 = arith.constant 0 : i32
    %add3A_431 = arith.addi %mul3A_20, %add3A_430 : i32
    %dma_start3A_432 = arith.constant 0 : i32
    %dma_start3A_433 = tpu.memref_slice %arg5[%select_n3A, %add3A_431, %dma_start3A_432] : memref<4x2048x128xf32, #tpu.memory_space<hbm>> -> memref<1x48x128xf32, #tpu.memory_space<hbm>>
    %dma_start3A_434 = tpu.memref_squeeze %dma_start3A_433 : memref<1x48x128xf32, #tpu.memory_space<hbm>> -> memref<48x128xf32, #tpu.memory_space<hbm>>
    %dma_start3A_435 = arith.constant 0 : i32
    %dma_start3A_436 = tpu.memref_slice %arg11[%add3A_429, %dma_start3A_435] : memref<4096x128xf32, #tpu.memory_space<vmem_shared>> -> memref<48x128xf32, #tpu.memory_space<vmem_shared>>
    tpu.enqueue_dma source(%dma_start3A_436 : memref<48x128xf32, #tpu.memory_space<vmem_shared>>) target(%dma_start3A_434 : memref<48x128xf32, #tpu.memory_space<hbm>>) target_semaphore(%arg22 : memref<!tpu.dma_semaphore, #tpu.memory_space<semaphore_mem>>)
    %dma_wait3A_437 = arith.constant 0 : i32
    %dma_wait3A_438 = tpu.memref_slice %arg11[%add3A_59, %dma_wait3A_437] : memref<4096x128xf32, #tpu.memory_space<vmem_shared>> -> memref<32x128xf32, #tpu.memory_space<vmem_shared>>
    %dma_wait3A_439 = arith.constant 0 : i32
    %dma_wait3A_440 = tpu.memref_slice %arg4[%add3A_57, %dma_wait3A_439] : memref<2048x128xf32, #tpu.memory_space<hbm>> -> memref<32x128xf32, #tpu.memory_space<hbm>>
    tpu.wait_dma2 semaphore(%arg16 : memref<!tpu.dma_semaphore, #tpu.memory_space<semaphore_mem>>) src(%dma_wait3A_440 : memref<32x128xf32, #tpu.memory_space<hbm>>) dst(%dma_wait3A_438 : memref<32x128xf32, #tpu.memory_space<vmem_shared>>)
    %dma_wait3A_441 = arith.constant 96 : i32
    %dma_wait3A_442 = arith.constant 0 : i32
    %dma_wait3A_443 = tpu.memref_slice %arg10[%dma_wait3A_441, %dma_wait3A_442] : memref<256x128xf32, #tpu.memory_space<vmem>> -> memref<32x128xf32, #tpu.memory_space<vmem>>
    %dma_wait3A_444 = arith.constant 96 : i32
    %dma_wait3A_445 = tpu.memref_slice %arg6[%dma_wait3A_444] : memref<256xi32, #tpu.memory_space<vmem>> -> memref<32xi32, #tpu.memory_space<vmem>>
    %dma_wait3A_446 = arith.constant 0 : i32
    %dma_wait3A_447 = arith.constant 0 : i32
    %dma_wait3A_448 = tpu.memref_slice %arg3[%dma_wait3A_446, %dma_wait3A_447] : memref<100000x128xf32, #tpu.memory_space<hbm>> -> memref<100000x128xf32, #tpu.memory_space<hbm>>
    tpu.wait_indirect_dma semaphore(%arg16 : memref<!tpu.dma_semaphore, #tpu.memory_space<semaphore_mem>>) src(%dma_wait3A_448 : memref<100000x128xf32, #tpu.memory_space<hbm>>) dst(%dma_wait3A_443 : memref<32x128xf32, #tpu.memory_space<vmem>>)
    %dma_start3A_449 = arith.constant 0 : i32
    %dma_start3A_450 = arith.constant 96 : i32
    %dma_start3A_451 = arith.constant 0 : i32
    %dma_start3A_452 = tpu.memref_slice %arg10[%dma_start3A_450, %dma_start3A_451] : memref<256x128xf32, #tpu.memory_space<vmem>> -> memref<32x128xf32, #tpu.memory_space<vmem>>
    %dma_start3A_453 = arith.constant 0 : i32
    %dma_start3A_454 = tpu.memref_slice %arg8[%dma_start3A_449, %dma_start3A_453] : memref<4x32xi32, #tpu.memory_space<vmem>> -> memref<1x32xi32, #tpu.memory_space<vmem>>
    %dma_start3A_455 = tpu.memref_squeeze %dma_start3A_454 : memref<1x32xi32, #tpu.memory_space<vmem>> -> memref<32xi32, #tpu.memory_space<vmem>>
    %dma_start3A_456 = arith.constant 0 : i32
    %dma_start3A_457 = arith.constant 0 : i32
    %dma_start3A_458 = tpu.memref_slice %arg11[%dma_start3A_456, %dma_start3A_457] : memref<4096x128xf32, #tpu.memory_space<vmem_shared>> -> memref<4096x128xf32, #tpu.memory_space<vmem_shared>>
    tpu.enqueue_indirect_dma source(%dma_start3A_452 : memref<32x128xf32, #tpu.memory_space<vmem>>) target(%dma_start3A_458 : memref<4096x128xf32, #tpu.memory_space<vmem_shared>>) offsets(%dma_start3A_455 : memref<32xi32, #tpu.memory_space<vmem>>) semaphore(%arg16 : memref<!tpu.dma_semaphore, #tpu.memory_space<semaphore_mem>>) {add = true}
    %dma_wait3A_459 = arith.constant 1 : i32
    %dma_wait3A_460 = arith.constant 48 : i32
    %dma_wait3A_461 = arith.constant 0 : i32
    %dma_wait3A_462 = tpu.memref_slice %arg10[%dma_wait3A_460, %dma_wait3A_461] : memref<256x128xf32, #tpu.memory_space<vmem>> -> memref<48x128xf32, #tpu.memory_space<vmem>>
    %dma_wait3A_463 = arith.constant 0 : i32
    %dma_wait3A_464 = tpu.memref_slice %arg7[%dma_wait3A_459, %dma_wait3A_463] : memref<2x48xi32, #tpu.memory_space<vmem>> -> memref<1x48xi32, #tpu.memory_space<vmem>>
    %dma_wait3A_465 = tpu.memref_squeeze %dma_wait3A_464 : memref<1x48xi32, #tpu.memory_space<vmem>> -> memref<48xi32, #tpu.memory_space<vmem>>
    %dma_wait3A_466 = arith.constant 0 : i32
    %dma_wait3A_467 = arith.constant 0 : i32
    %dma_wait3A_468 = tpu.memref_slice %arg11[%dma_wait3A_466, %dma_wait3A_467] : memref<4096x128xf32, #tpu.memory_space<vmem_shared>> -> memref<4096x128xf32, #tpu.memory_space<vmem_shared>>
    tpu.wait_indirect_dma semaphore(%arg15 : memref<!tpu.dma_semaphore, #tpu.memory_space<semaphore_mem>>) src(%dma_wait3A_462 : memref<48x128xf32, #tpu.memory_space<vmem>>) dst(%dma_wait3A_468 : memref<4096x128xf32, #tpu.memory_space<vmem_shared>>)
    %add3A_469 = arith.constant 48 : i32
    %add3A_470 = arith.addi %mul3A_22, %add3A_469 : i32
    %add3A_471 = arith.constant 48 : i32
    %add3A_472 = arith.addi %mul3A_20, %add3A_471 : i32
    %dma_start3A_473 = arith.constant 0 : i32
    %dma_start3A_474 = tpu.memref_slice %arg5[%select_n3A, %add3A_472, %dma_start3A_473] : memref<4x2048x128xf32, #tpu.memory_space<hbm>> -> memref<1x48x128xf32, #tpu.memory_space<hbm>>
    %dma_start3A_475 = tpu.memref_squeeze %dma_start3A_474 : memref<1x48x128xf32, #tpu.memory_space<hbm>> -> memref<48x128xf32, #tpu.memory_space<hbm>>
    %dma_start3A_476 = arith.constant 0 : i32
    %dma_start3A_477 = tpu.memref_slice %arg11[%add3A_470, %dma_start3A_476] : memref<4096x128xf32, #tpu.memory_space<vmem_shared>> -> memref<48x128xf32, #tpu.memory_space<vmem_shared>>
    tpu.enqueue_dma source(%dma_start3A_477 : memref<48x128xf32, #tpu.memory_space<vmem_shared>>) target(%dma_start3A_475 : memref<48x128xf32, #tpu.memory_space<hbm>>) target_semaphore(%arg22 : memref<!tpu.dma_semaphore, #tpu.memory_space<semaphore_mem>>)
    %dma_wait3A_478 = arith.constant 0 : i32
    %dma_wait3A_479 = tpu.memref_slice %arg11[%add3A_67, %dma_wait3A_478] : memref<4096x128xf32, #tpu.memory_space<vmem_shared>> -> memref<32x128xf32, #tpu.memory_space<vmem_shared>>
    %dma_wait3A_480 = arith.constant 0 : i32
    %dma_wait3A_481 = tpu.memref_slice %arg4[%add3A_65, %dma_wait3A_480] : memref<2048x128xf32, #tpu.memory_space<hbm>> -> memref<32x128xf32, #tpu.memory_space<hbm>>
    tpu.wait_dma2 semaphore(%arg17 : memref<!tpu.dma_semaphore, #tpu.memory_space<semaphore_mem>>) src(%dma_wait3A_481 : memref<32x128xf32, #tpu.memory_space<hbm>>) dst(%dma_wait3A_479 : memref<32x128xf32, #tpu.memory_space<vmem_shared>>)
    %dma_wait3A_482 = arith.constant 128 : i32
    %dma_wait3A_483 = arith.constant 0 : i32
    %dma_wait3A_484 = tpu.memref_slice %arg10[%dma_wait3A_482, %dma_wait3A_483] : memref<256x128xf32, #tpu.memory_space<vmem>> -> memref<32x128xf32, #tpu.memory_space<vmem>>
    %dma_wait3A_485 = arith.constant 128 : i32
    %dma_wait3A_486 = tpu.memref_slice %arg6[%dma_wait3A_485] : memref<256xi32, #tpu.memory_space<vmem>> -> memref<32xi32, #tpu.memory_space<vmem>>
    %dma_wait3A_487 = arith.constant 0 : i32
    %dma_wait3A_488 = arith.constant 0 : i32
    %dma_wait3A_489 = tpu.memref_slice %arg3[%dma_wait3A_487, %dma_wait3A_488] : memref<100000x128xf32, #tpu.memory_space<hbm>> -> memref<100000x128xf32, #tpu.memory_space<hbm>>
    tpu.wait_indirect_dma semaphore(%arg17 : memref<!tpu.dma_semaphore, #tpu.memory_space<semaphore_mem>>) src(%dma_wait3A_489 : memref<100000x128xf32, #tpu.memory_space<hbm>>) dst(%dma_wait3A_484 : memref<32x128xf32, #tpu.memory_space<vmem>>)
    %dma_start3A_490 = arith.constant 1 : i32
    %dma_start3A_491 = arith.constant 128 : i32
    %dma_start3A_492 = arith.constant 0 : i32
    %dma_start3A_493 = tpu.memref_slice %arg10[%dma_start3A_491, %dma_start3A_492] : memref<256x128xf32, #tpu.memory_space<vmem>> -> memref<32x128xf32, #tpu.memory_space<vmem>>
    %dma_start3A_494 = arith.constant 0 : i32
    %dma_start3A_495 = tpu.memref_slice %arg8[%dma_start3A_490, %dma_start3A_494] : memref<4x32xi32, #tpu.memory_space<vmem>> -> memref<1x32xi32, #tpu.memory_space<vmem>>
    %dma_start3A_496 = tpu.memref_squeeze %dma_start3A_495 : memref<1x32xi32, #tpu.memory_space<vmem>> -> memref<32xi32, #tpu.memory_space<vmem>>
    %dma_start3A_497 = arith.constant 0 : i32
    %dma_start3A_498 = arith.constant 0 : i32
    %dma_start3A_499 = tpu.memref_slice %arg11[%dma_start3A_497, %dma_start3A_498] : memref<4096x128xf32, #tpu.memory_space<vmem_shared>> -> memref<4096x128xf32, #tpu.memory_space<vmem_shared>>
    tpu.enqueue_indirect_dma source(%dma_start3A_493 : memref<32x128xf32, #tpu.memory_space<vmem>>) target(%dma_start3A_499 : memref<4096x128xf32, #tpu.memory_space<vmem_shared>>) offsets(%dma_start3A_496 : memref<32xi32, #tpu.memory_space<vmem>>) semaphore(%arg17 : memref<!tpu.dma_semaphore, #tpu.memory_space<semaphore_mem>>) {add = true}
    %dma_wait3A_500 = arith.constant 0 : i32
    %dma_wait3A_501 = arith.constant 96 : i32
    %dma_wait3A_502 = arith.constant 0 : i32
    %dma_wait3A_503 = tpu.memref_slice %arg10[%dma_wait3A_501, %dma_wait3A_502] : memref<256x128xf32, #tpu.memory_space<vmem>> -> memref<32x128xf32, #tpu.memory_space<vmem>>
    %dma_wait3A_504 = arith.constant 0 : i32
    %dma_wait3A_505 = tpu.memref_slice %arg8[%dma_wait3A_500, %dma_wait3A_504] : memref<4x32xi32, #tpu.memory_space<vmem>> -> memref<1x32xi32, #tpu.memory_space<vmem>>
    %dma_wait3A_506 = tpu.memref_squeeze %dma_wait3A_505 : memref<1x32xi32, #tpu.memory_space<vmem>> -> memref<32xi32, #tpu.memory_space<vmem>>
    %dma_wait3A_507 = arith.constant 0 : i32
    %dma_wait3A_508 = arith.constant 0 : i32
    %dma_wait3A_509 = tpu.memref_slice %arg11[%dma_wait3A_507, %dma_wait3A_508] : memref<4096x128xf32, #tpu.memory_space<vmem_shared>> -> memref<4096x128xf32, #tpu.memory_space<vmem_shared>>
    tpu.wait_indirect_dma semaphore(%arg16 : memref<!tpu.dma_semaphore, #tpu.memory_space<semaphore_mem>>) src(%dma_wait3A_503 : memref<32x128xf32, #tpu.memory_space<vmem>>) dst(%dma_wait3A_509 : memref<4096x128xf32, #tpu.memory_space<vmem_shared>>)
    %add3A_510 = arith.constant 96 : i32
    %add3A_511 = arith.addi %mul3A_22, %add3A_510 : i32
    %add3A_512 = arith.constant 96 : i32
    %add3A_513 = arith.addi %mul3A_20, %add3A_512 : i32
    %dma_start3A_514 = arith.constant 0 : i32
    %dma_start3A_515 = tpu.memref_slice %arg5[%select_n3A, %add3A_513, %dma_start3A_514] : memref<4x2048x128xf32, #tpu.memory_space<hbm>> -> memref<1x32x128xf32, #tpu.memory_space<hbm>>
    %dma_start3A_516 = tpu.memref_squeeze %dma_start3A_515 : memref<1x32x128xf32, #tpu.memory_space<hbm>> -> memref<32x128xf32, #tpu.memory_space<hbm>>
    %dma_start3A_517 = arith.constant 0 : i32
    %dma_start3A_518 = tpu.memref_slice %arg11[%add3A_511, %dma_start3A_517] : memref<4096x128xf32, #tpu.memory_space<vmem_shared>> -> memref<32x128xf32, #tpu.memory_space<vmem_shared>>
    tpu.enqueue_dma source(%dma_start3A_518 : memref<32x128xf32, #tpu.memory_space<vmem_shared>>) target(%dma_start3A_516 : memref<32x128xf32, #tpu.memory_space<hbm>>) target_semaphore(%arg22 : memref<!tpu.dma_semaphore, #tpu.memory_space<semaphore_mem>>)
    %dma_wait3A_519 = arith.constant 0 : i32
    %dma_wait3A_520 = tpu.memref_slice %arg11[%add3A_75, %dma_wait3A_519] : memref<4096x128xf32, #tpu.memory_space<vmem_shared>> -> memref<32x128xf32, #tpu.memory_space<vmem_shared>>
    %dma_wait3A_521 = arith.constant 0 : i32
    %dma_wait3A_522 = tpu.memref_slice %arg4[%add3A_73, %dma_wait3A_521] : memref<2048x128xf32, #tpu.memory_space<hbm>> -> memref<32x128xf32, #tpu.memory_space<hbm>>
    tpu.wait_dma2 semaphore(%arg18 : memref<!tpu.dma_semaphore, #tpu.memory_space<semaphore_mem>>) src(%dma_wait3A_522 : memref<32x128xf32, #tpu.memory_space<hbm>>) dst(%dma_wait3A_520 : memref<32x128xf32, #tpu.memory_space<vmem_shared>>)
    %dma_wait3A_523 = arith.constant 160 : i32
    %dma_wait3A_524 = arith.constant 0 : i32
    %dma_wait3A_525 = tpu.memref_slice %arg10[%dma_wait3A_523, %dma_wait3A_524] : memref<256x128xf32, #tpu.memory_space<vmem>> -> memref<32x128xf32, #tpu.memory_space<vmem>>
    %dma_wait3A_526 = arith.constant 160 : i32
    %dma_wait3A_527 = tpu.memref_slice %arg6[%dma_wait3A_526] : memref<256xi32, #tpu.memory_space<vmem>> -> memref<32xi32, #tpu.memory_space<vmem>>
    %dma_wait3A_528 = arith.constant 0 : i32
    %dma_wait3A_529 = arith.constant 0 : i32
    %dma_wait3A_530 = tpu.memref_slice %arg3[%dma_wait3A_528, %dma_wait3A_529] : memref<100000x128xf32, #tpu.memory_space<hbm>> -> memref<100000x128xf32, #tpu.memory_space<hbm>>
    tpu.wait_indirect_dma semaphore(%arg18 : memref<!tpu.dma_semaphore, #tpu.memory_space<semaphore_mem>>) src(%dma_wait3A_530 : memref<100000x128xf32, #tpu.memory_space<hbm>>) dst(%dma_wait3A_525 : memref<32x128xf32, #tpu.memory_space<vmem>>)
    %dma_start3A_531 = arith.constant 2 : i32
    %dma_start3A_532 = arith.constant 160 : i32
    %dma_start3A_533 = arith.constant 0 : i32
    %dma_start3A_534 = tpu.memref_slice %arg10[%dma_start3A_532, %dma_start3A_533] : memref<256x128xf32, #tpu.memory_space<vmem>> -> memref<32x128xf32, #tpu.memory_space<vmem>>
    %dma_start3A_535 = arith.constant 0 : i32
    %dma_start3A_536 = tpu.memref_slice %arg8[%dma_start3A_531, %dma_start3A_535] : memref<4x32xi32, #tpu.memory_space<vmem>> -> memref<1x32xi32, #tpu.memory_space<vmem>>
    %dma_start3A_537 = tpu.memref_squeeze %dma_start3A_536 : memref<1x32xi32, #tpu.memory_space<vmem>> -> memref<32xi32, #tpu.memory_space<vmem>>
    %dma_start3A_538 = arith.constant 0 : i32
    %dma_start3A_539 = arith.constant 0 : i32
    %dma_start3A_540 = tpu.memref_slice %arg11[%dma_start3A_538, %dma_start3A_539] : memref<4096x128xf32, #tpu.memory_space<vmem_shared>> -> memref<4096x128xf32, #tpu.memory_space<vmem_shared>>
    tpu.enqueue_indirect_dma source(%dma_start3A_534 : memref<32x128xf32, #tpu.memory_space<vmem>>) target(%dma_start3A_540 : memref<4096x128xf32, #tpu.memory_space<vmem_shared>>) offsets(%dma_start3A_537 : memref<32xi32, #tpu.memory_space<vmem>>) semaphore(%arg18 : memref<!tpu.dma_semaphore, #tpu.memory_space<semaphore_mem>>) {add = true}
    %dma_wait3A_541 = arith.constant 1 : i32
    %dma_wait3A_542 = arith.constant 128 : i32
    %dma_wait3A_543 = arith.constant 0 : i32
    %dma_wait3A_544 = tpu.memref_slice %arg10[%dma_wait3A_542, %dma_wait3A_543] : memref<256x128xf32, #tpu.memory_space<vmem>> -> memref<32x128xf32, #tpu.memory_space<vmem>>
    %dma_wait3A_545 = arith.constant 0 : i32
    %dma_wait3A_546 = tpu.memref_slice %arg8[%dma_wait3A_541, %dma_wait3A_545] : memref<4x32xi32, #tpu.memory_space<vmem>> -> memref<1x32xi32, #tpu.memory_space<vmem>>
    %dma_wait3A_547 = tpu.memref_squeeze %dma_wait3A_546 : memref<1x32xi32, #tpu.memory_space<vmem>> -> memref<32xi32, #tpu.memory_space<vmem>>
    %dma_wait3A_548 = arith.constant 0 : i32
    %dma_wait3A_549 = arith.constant 0 : i32
    %dma_wait3A_550 = tpu.memref_slice %arg11[%dma_wait3A_548, %dma_wait3A_549] : memref<4096x128xf32, #tpu.memory_space<vmem_shared>> -> memref<4096x128xf32, #tpu.memory_space<vmem_shared>>
    tpu.wait_indirect_dma semaphore(%arg17 : memref<!tpu.dma_semaphore, #tpu.memory_space<semaphore_mem>>) src(%dma_wait3A_544 : memref<32x128xf32, #tpu.memory_space<vmem>>) dst(%dma_wait3A_550 : memref<4096x128xf32, #tpu.memory_space<vmem_shared>>)
    %add3A_551 = arith.constant 128 : i32
    %add3A_552 = arith.addi %mul3A_22, %add3A_551 : i32
    %add3A_553 = arith.constant 128 : i32
    %add3A_554 = arith.addi %mul3A_20, %add3A_553 : i32
    %dma_start3A_555 = arith.constant 0 : i32
    %dma_start3A_556 = tpu.memref_slice %arg5[%select_n3A, %add3A_554, %dma_start3A_555] : memref<4x2048x128xf32, #tpu.memory_space<hbm>> -> memref<1x32x128xf32, #tpu.memory_space<hbm>>
    %dma_start3A_557 = tpu.memref_squeeze %dma_start3A_556 : memref<1x32x128xf32, #tpu.memory_space<hbm>> -> memref<32x128xf32, #tpu.memory_space<hbm>>
    %dma_start3A_558 = arith.constant 0 : i32
    %dma_start3A_559 = tpu.memref_slice %arg11[%add3A_552, %dma_start3A_558] : memref<4096x128xf32, #tpu.memory_space<vmem_shared>> -> memref<32x128xf32, #tpu.memory_space<vmem_shared>>
    tpu.enqueue_dma source(%dma_start3A_559 : memref<32x128xf32, #tpu.memory_space<vmem_shared>>) target(%dma_start3A_557 : memref<32x128xf32, #tpu.memory_space<hbm>>) target_semaphore(%arg22 : memref<!tpu.dma_semaphore, #tpu.memory_space<semaphore_mem>>)
    %dma_wait3A_560 = arith.constant 0 : i32
    %dma_wait3A_561 = tpu.memref_slice %arg11[%add3A_83, %dma_wait3A_560] : memref<4096x128xf32, #tpu.memory_space<vmem_shared>> -> memref<32x128xf32, #tpu.memory_space<vmem_shared>>
    %dma_wait3A_562 = arith.constant 0 : i32
    %dma_wait3A_563 = tpu.memref_slice %arg4[%add3A_81, %dma_wait3A_562] : memref<2048x128xf32, #tpu.memory_space<hbm>> -> memref<32x128xf32, #tpu.memory_space<hbm>>
    tpu.wait_dma2 semaphore(%arg19 : memref<!tpu.dma_semaphore, #tpu.memory_space<semaphore_mem>>) src(%dma_wait3A_563 : memref<32x128xf32, #tpu.memory_space<hbm>>) dst(%dma_wait3A_561 : memref<32x128xf32, #tpu.memory_space<vmem_shared>>)
    %dma_wait3A_564 = arith.constant 192 : i32
    %dma_wait3A_565 = arith.constant 0 : i32
    %dma_wait3A_566 = tpu.memref_slice %arg10[%dma_wait3A_564, %dma_wait3A_565] : memref<256x128xf32, #tpu.memory_space<vmem>> -> memref<32x128xf32, #tpu.memory_space<vmem>>
    %dma_wait3A_567 = arith.constant 192 : i32
    %dma_wait3A_568 = tpu.memref_slice %arg6[%dma_wait3A_567] : memref<256xi32, #tpu.memory_space<vmem>> -> memref<32xi32, #tpu.memory_space<vmem>>
    %dma_wait3A_569 = arith.constant 0 : i32
    %dma_wait3A_570 = arith.constant 0 : i32
    %dma_wait3A_571 = tpu.memref_slice %arg3[%dma_wait3A_569, %dma_wait3A_570] : memref<100000x128xf32, #tpu.memory_space<hbm>> -> memref<100000x128xf32, #tpu.memory_space<hbm>>
    tpu.wait_indirect_dma semaphore(%arg19 : memref<!tpu.dma_semaphore, #tpu.memory_space<semaphore_mem>>) src(%dma_wait3A_571 : memref<100000x128xf32, #tpu.memory_space<hbm>>) dst(%dma_wait3A_566 : memref<32x128xf32, #tpu.memory_space<vmem>>)
    %dma_start3A_572 = arith.constant 3 : i32
    %dma_start3A_573 = arith.constant 192 : i32
    %dma_start3A_574 = arith.constant 0 : i32
    %dma_start3A_575 = tpu.memref_slice %arg10[%dma_start3A_573, %dma_start3A_574] : memref<256x128xf32, #tpu.memory_space<vmem>> -> memref<32x128xf32, #tpu.memory_space<vmem>>
    %dma_start3A_576 = arith.constant 0 : i32
    %dma_start3A_577 = tpu.memref_slice %arg8[%dma_start3A_572, %dma_start3A_576] : memref<4x32xi32, #tpu.memory_space<vmem>> -> memref<1x32xi32, #tpu.memory_space<vmem>>
    %dma_start3A_578 = tpu.memref_squeeze %dma_start3A_577 : memref<1x32xi32, #tpu.memory_space<vmem>> -> memref<32xi32, #tpu.memory_space<vmem>>
    %dma_start3A_579 = arith.constant 0 : i32
    %dma_start3A_580 = arith.constant 0 : i32
    %dma_start3A_581 = tpu.memref_slice %arg11[%dma_start3A_579, %dma_start3A_580] : memref<4096x128xf32, #tpu.memory_space<vmem_shared>> -> memref<4096x128xf32, #tpu.memory_space<vmem_shared>>
    tpu.enqueue_indirect_dma source(%dma_start3A_575 : memref<32x128xf32, #tpu.memory_space<vmem>>) target(%dma_start3A_581 : memref<4096x128xf32, #tpu.memory_space<vmem_shared>>) offsets(%dma_start3A_578 : memref<32xi32, #tpu.memory_space<vmem>>) semaphore(%arg19 : memref<!tpu.dma_semaphore, #tpu.memory_space<semaphore_mem>>) {add = true}
    %dma_wait3A_582 = arith.constant 2 : i32
    %dma_wait3A_583 = arith.constant 160 : i32
    %dma_wait3A_584 = arith.constant 0 : i32
    %dma_wait3A_585 = tpu.memref_slice %arg10[%dma_wait3A_583, %dma_wait3A_584] : memref<256x128xf32, #tpu.memory_space<vmem>> -> memref<32x128xf32, #tpu.memory_space<vmem>>
    %dma_wait3A_586 = arith.constant 0 : i32
    %dma_wait3A_587 = tpu.memref_slice %arg8[%dma_wait3A_582, %dma_wait3A_586] : memref<4x32xi32, #tpu.memory_space<vmem>> -> memref<1x32xi32, #tpu.memory_space<vmem>>
    %dma_wait3A_588 = tpu.memref_squeeze %dma_wait3A_587 : memref<1x32xi32, #tpu.memory_space<vmem>> -> memref<32xi32, #tpu.memory_space<vmem>>
    %dma_wait3A_589 = arith.constant 0 : i32
    %dma_wait3A_590 = arith.constant 0 : i32
    %dma_wait3A_591 = tpu.memref_slice %arg11[%dma_wait3A_589, %dma_wait3A_590] : memref<4096x128xf32, #tpu.memory_space<vmem_shared>> -> memref<4096x128xf32, #tpu.memory_space<vmem_shared>>
    tpu.wait_indirect_dma semaphore(%arg18 : memref<!tpu.dma_semaphore, #tpu.memory_space<semaphore_mem>>) src(%dma_wait3A_585 : memref<32x128xf32, #tpu.memory_space<vmem>>) dst(%dma_wait3A_591 : memref<4096x128xf32, #tpu.memory_space<vmem_shared>>)
    %add3A_592 = arith.constant 160 : i32
    %add3A_593 = arith.addi %mul3A_22, %add3A_592 : i32
    %add3A_594 = arith.constant 160 : i32
    %add3A_595 = arith.addi %mul3A_20, %add3A_594 : i32
    %dma_start3A_596 = arith.constant 0 : i32
    %dma_start3A_597 = tpu.memref_slice %arg5[%select_n3A, %add3A_595, %dma_start3A_596] : memref<4x2048x128xf32, #tpu.memory_space<hbm>> -> memref<1x32x128xf32, #tpu.memory_space<hbm>>
    %dma_start3A_598 = tpu.memref_squeeze %dma_start3A_597 : memref<1x32x128xf32, #tpu.memory_space<hbm>> -> memref<32x128xf32, #tpu.memory_space<hbm>>
    %dma_start3A_599 = arith.constant 0 : i32
    %dma_start3A_600 = tpu.memref_slice %arg11[%add3A_593, %dma_start3A_599] : memref<4096x128xf32, #tpu.memory_space<vmem_shared>> -> memref<32x128xf32, #tpu.memory_space<vmem_shared>>
    tpu.enqueue_dma source(%dma_start3A_600 : memref<32x128xf32, #tpu.memory_space<vmem_shared>>) target(%dma_start3A_598 : memref<32x128xf32, #tpu.memory_space<hbm>>) target_semaphore(%arg22 : memref<!tpu.dma_semaphore, #tpu.memory_space<semaphore_mem>>)
    %dma_wait3A_601 = arith.constant 0 : i32
    %dma_wait3A_602 = tpu.memref_slice %arg11[%add3A_91, %dma_wait3A_601] : memref<4096x128xf32, #tpu.memory_space<vmem_shared>> -> memref<16x128xf32, #tpu.memory_space<vmem_shared>>
    %dma_wait3A_603 = arith.constant 0 : i32
    %dma_wait3A_604 = tpu.memref_slice %arg4[%add3A_89, %dma_wait3A_603] : memref<2048x128xf32, #tpu.memory_space<hbm>> -> memref<16x128xf32, #tpu.memory_space<hbm>>
    tpu.wait_dma2 semaphore(%arg20 : memref<!tpu.dma_semaphore, #tpu.memory_space<semaphore_mem>>) src(%dma_wait3A_604 : memref<16x128xf32, #tpu.memory_space<hbm>>) dst(%dma_wait3A_602 : memref<16x128xf32, #tpu.memory_space<vmem_shared>>)
    %dma_wait3A_605 = arith.constant 224 : i32
    %dma_wait3A_606 = arith.constant 0 : i32
    %dma_wait3A_607 = tpu.memref_slice %arg10[%dma_wait3A_605, %dma_wait3A_606] : memref<256x128xf32, #tpu.memory_space<vmem>> -> memref<16x128xf32, #tpu.memory_space<vmem>>
    %dma_wait3A_608 = arith.constant 224 : i32
    %dma_wait3A_609 = tpu.memref_slice %arg6[%dma_wait3A_608] : memref<256xi32, #tpu.memory_space<vmem>> -> memref<16xi32, #tpu.memory_space<vmem>>
    %dma_wait3A_610 = arith.constant 0 : i32
    %dma_wait3A_611 = arith.constant 0 : i32
    %dma_wait3A_612 = tpu.memref_slice %arg3[%dma_wait3A_610, %dma_wait3A_611] : memref<100000x128xf32, #tpu.memory_space<hbm>> -> memref<100000x128xf32, #tpu.memory_space<hbm>>
    tpu.wait_indirect_dma semaphore(%arg20 : memref<!tpu.dma_semaphore, #tpu.memory_space<semaphore_mem>>) src(%dma_wait3A_612 : memref<100000x128xf32, #tpu.memory_space<hbm>>) dst(%dma_wait3A_607 : memref<16x128xf32, #tpu.memory_space<vmem>>)
    %dma_start3A_613 = arith.constant 0 : i32
    %dma_start3A_614 = arith.constant 224 : i32
    %dma_start3A_615 = arith.constant 0 : i32
    %dma_start3A_616 = tpu.memref_slice %arg10[%dma_start3A_614, %dma_start3A_615] : memref<256x128xf32, #tpu.memory_space<vmem>> -> memref<16x128xf32, #tpu.memory_space<vmem>>
    %dma_start3A_617 = arith.constant 0 : i32
    %dma_start3A_618 = tpu.memref_slice %arg9[%dma_start3A_613, %dma_start3A_617] : memref<2x16xi32, #tpu.memory_space<vmem>> -> memref<1x16xi32, #tpu.memory_space<vmem>>
    %dma_start3A_619 = tpu.memref_squeeze %dma_start3A_618 : memref<1x16xi32, #tpu.memory_space<vmem>> -> memref<16xi32, #tpu.memory_space<vmem>>
    %dma_start3A_620 = arith.constant 0 : i32
    %dma_start3A_621 = arith.constant 0 : i32
    %dma_start3A_622 = tpu.memref_slice %arg11[%dma_start3A_620, %dma_start3A_621] : memref<4096x128xf32, #tpu.memory_space<vmem_shared>> -> memref<4096x128xf32, #tpu.memory_space<vmem_shared>>
    tpu.enqueue_indirect_dma source(%dma_start3A_616 : memref<16x128xf32, #tpu.memory_space<vmem>>) target(%dma_start3A_622 : memref<4096x128xf32, #tpu.memory_space<vmem_shared>>) offsets(%dma_start3A_619 : memref<16xi32, #tpu.memory_space<vmem>>) semaphore(%arg20 : memref<!tpu.dma_semaphore, #tpu.memory_space<semaphore_mem>>) {add = true}
    %dma_wait3A_623 = arith.constant 3 : i32
    %dma_wait3A_624 = arith.constant 192 : i32
    %dma_wait3A_625 = arith.constant 0 : i32
    %dma_wait3A_626 = tpu.memref_slice %arg10[%dma_wait3A_624, %dma_wait3A_625] : memref<256x128xf32, #tpu.memory_space<vmem>> -> memref<32x128xf32, #tpu.memory_space<vmem>>
    %dma_wait3A_627 = arith.constant 0 : i32
    %dma_wait3A_628 = tpu.memref_slice %arg8[%dma_wait3A_623, %dma_wait3A_627] : memref<4x32xi32, #tpu.memory_space<vmem>> -> memref<1x32xi32, #tpu.memory_space<vmem>>
    %dma_wait3A_629 = tpu.memref_squeeze %dma_wait3A_628 : memref<1x32xi32, #tpu.memory_space<vmem>> -> memref<32xi32, #tpu.memory_space<vmem>>
    %dma_wait3A_630 = arith.constant 0 : i32
    %dma_wait3A_631 = arith.constant 0 : i32
    %dma_wait3A_632 = tpu.memref_slice %arg11[%dma_wait3A_630, %dma_wait3A_631] : memref<4096x128xf32, #tpu.memory_space<vmem_shared>> -> memref<4096x128xf32, #tpu.memory_space<vmem_shared>>
    tpu.wait_indirect_dma semaphore(%arg19 : memref<!tpu.dma_semaphore, #tpu.memory_space<semaphore_mem>>) src(%dma_wait3A_626 : memref<32x128xf32, #tpu.memory_space<vmem>>) dst(%dma_wait3A_632 : memref<4096x128xf32, #tpu.memory_space<vmem_shared>>)
    %add3A_633 = arith.constant 192 : i32
    %add3A_634 = arith.addi %mul3A_22, %add3A_633 : i32
    %add3A_635 = arith.constant 192 : i32
    %add3A_636 = arith.addi %mul3A_20, %add3A_635 : i32
    %dma_start3A_637 = arith.constant 0 : i32
    %dma_start3A_638 = tpu.memref_slice %arg5[%select_n3A, %add3A_636, %dma_start3A_637] : memref<4x2048x128xf32, #tpu.memory_space<hbm>> -> memref<1x32x128xf32, #tpu.memory_space<hbm>>
    %dma_start3A_639 = tpu.memref_squeeze %dma_start3A_638 : memref<1x32x128xf32, #tpu.memory_space<hbm>> -> memref<32x128xf32, #tpu.memory_space<hbm>>
    %dma_start3A_640 = arith.constant 0 : i32
    %dma_start3A_641 = tpu.memref_slice %arg11[%add3A_634, %dma_start3A_640] : memref<4096x128xf32, #tpu.memory_space<vmem_shared>> -> memref<32x128xf32, #tpu.memory_space<vmem_shared>>
    tpu.enqueue_dma source(%dma_start3A_641 : memref<32x128xf32, #tpu.memory_space<vmem_shared>>) target(%dma_start3A_639 : memref<32x128xf32, #tpu.memory_space<hbm>>) target_semaphore(%arg22 : memref<!tpu.dma_semaphore, #tpu.memory_space<semaphore_mem>>)
    %dma_wait3A_642 = arith.constant 0 : i32
    %dma_wait3A_643 = tpu.memref_slice %arg11[%add3A_99, %dma_wait3A_642] : memref<4096x128xf32, #tpu.memory_space<vmem_shared>> -> memref<16x128xf32, #tpu.memory_space<vmem_shared>>
    %dma_wait3A_644 = arith.constant 0 : i32
    %dma_wait3A_645 = tpu.memref_slice %arg4[%add3A_97, %dma_wait3A_644] : memref<2048x128xf32, #tpu.memory_space<hbm>> -> memref<16x128xf32, #tpu.memory_space<hbm>>
    tpu.wait_dma2 semaphore(%arg21 : memref<!tpu.dma_semaphore, #tpu.memory_space<semaphore_mem>>) src(%dma_wait3A_645 : memref<16x128xf32, #tpu.memory_space<hbm>>) dst(%dma_wait3A_643 : memref<16x128xf32, #tpu.memory_space<vmem_shared>>)
    %dma_wait3A_646 = arith.constant 240 : i32
    %dma_wait3A_647 = arith.constant 0 : i32
    %dma_wait3A_648 = tpu.memref_slice %arg10[%dma_wait3A_646, %dma_wait3A_647] : memref<256x128xf32, #tpu.memory_space<vmem>> -> memref<16x128xf32, #tpu.memory_space<vmem>>
    %dma_wait3A_649 = arith.constant 240 : i32
    %dma_wait3A_650 = tpu.memref_slice %arg6[%dma_wait3A_649] : memref<256xi32, #tpu.memory_space<vmem>> -> memref<16xi32, #tpu.memory_space<vmem>>
    %dma_wait3A_651 = arith.constant 0 : i32
    %dma_wait3A_652 = arith.constant 0 : i32
    %dma_wait3A_653 = tpu.memref_slice %arg3[%dma_wait3A_651, %dma_wait3A_652] : memref<100000x128xf32, #tpu.memory_space<hbm>> -> memref<100000x128xf32, #tpu.memory_space<hbm>>
    tpu.wait_indirect_dma semaphore(%arg21 : memref<!tpu.dma_semaphore, #tpu.memory_space<semaphore_mem>>) src(%dma_wait3A_653 : memref<100000x128xf32, #tpu.memory_space<hbm>>) dst(%dma_wait3A_648 : memref<16x128xf32, #tpu.memory_space<vmem>>)
    %dma_start3A_654 = arith.constant 1 : i32
    %dma_start3A_655 = arith.constant 240 : i32
    %dma_start3A_656 = arith.constant 0 : i32
    %dma_start3A_657 = tpu.memref_slice %arg10[%dma_start3A_655, %dma_start3A_656] : memref<256x128xf32, #tpu.memory_space<vmem>> -> memref<16x128xf32, #tpu.memory_space<vmem>>
    %dma_start3A_658 = arith.constant 0 : i32
    %dma_start3A_659 = tpu.memref_slice %arg9[%dma_start3A_654, %dma_start3A_658] : memref<2x16xi32, #tpu.memory_space<vmem>> -> memref<1x16xi32, #tpu.memory_space<vmem>>
    %dma_start3A_660 = tpu.memref_squeeze %dma_start3A_659 : memref<1x16xi32, #tpu.memory_space<vmem>> -> memref<16xi32, #tpu.memory_space<vmem>>
    %dma_start3A_661 = arith.constant 0 : i32
    %dma_start3A_662 = arith.constant 0 : i32
    %dma_start3A_663 = tpu.memref_slice %arg11[%dma_start3A_661, %dma_start3A_662] : memref<4096x128xf32, #tpu.memory_space<vmem_shared>> -> memref<4096x128xf32, #tpu.memory_space<vmem_shared>>
    tpu.enqueue_indirect_dma source(%dma_start3A_657 : memref<16x128xf32, #tpu.memory_space<vmem>>) target(%dma_start3A_663 : memref<4096x128xf32, #tpu.memory_space<vmem_shared>>) offsets(%dma_start3A_660 : memref<16xi32, #tpu.memory_space<vmem>>) semaphore(%arg21 : memref<!tpu.dma_semaphore, #tpu.memory_space<semaphore_mem>>) {add = true}
    %dma_wait3A_664 = arith.constant 0 : i32
    %dma_wait3A_665 = arith.constant 224 : i32
    %dma_wait3A_666 = arith.constant 0 : i32
    %dma_wait3A_667 = tpu.memref_slice %arg10[%dma_wait3A_665, %dma_wait3A_666] : memref<256x128xf32, #tpu.memory_space<vmem>> -> memref<16x128xf32, #tpu.memory_space<vmem>>
    %dma_wait3A_668 = arith.constant 0 : i32
    %dma_wait3A_669 = tpu.memref_slice %arg9[%dma_wait3A_664, %dma_wait3A_668] : memref<2x16xi32, #tpu.memory_space<vmem>> -> memref<1x16xi32, #tpu.memory_space<vmem>>
    %dma_wait3A_670 = tpu.memref_squeeze %dma_wait3A_669 : memref<1x16xi32, #tpu.memory_space<vmem>> -> memref<16xi32, #tpu.memory_space<vmem>>
    %dma_wait3A_671 = arith.constant 0 : i32
    %dma_wait3A_672 = arith.constant 0 : i32
    %dma_wait3A_673 = tpu.memref_slice %arg11[%dma_wait3A_671, %dma_wait3A_672] : memref<4096x128xf32, #tpu.memory_space<vmem_shared>> -> memref<4096x128xf32, #tpu.memory_space<vmem_shared>>
    tpu.wait_indirect_dma semaphore(%arg20 : memref<!tpu.dma_semaphore, #tpu.memory_space<semaphore_mem>>) src(%dma_wait3A_667 : memref<16x128xf32, #tpu.memory_space<vmem>>) dst(%dma_wait3A_673 : memref<4096x128xf32, #tpu.memory_space<vmem_shared>>)
    %add3A_674 = arith.constant 224 : i32
    %add3A_675 = arith.addi %mul3A_22, %add3A_674 : i32
    %add3A_676 = arith.constant 224 : i32
    %add3A_677 = arith.addi %mul3A_20, %add3A_676 : i32
    %dma_start3A_678 = arith.constant 0 : i32
    %dma_start3A_679 = tpu.memref_slice %arg5[%select_n3A, %add3A_677, %dma_start3A_678] : memref<4x2048x128xf32, #tpu.memory_space<hbm>> -> memref<1x16x128xf32, #tpu.memory_space<hbm>>
    %dma_start3A_680 = tpu.memref_squeeze %dma_start3A_679 : memref<1x16x128xf32, #tpu.memory_space<hbm>> -> memref<16x128xf32, #tpu.memory_space<hbm>>
    %dma_start3A_681 = arith.constant 0 : i32
    %dma_start3A_682 = tpu.memref_slice %arg11[%add3A_675, %dma_start3A_681] : memref<4096x128xf32, #tpu.memory_space<vmem_shared>> -> memref<16x128xf32, #tpu.memory_space<vmem_shared>>
    tpu.enqueue_dma source(%dma_start3A_682 : memref<16x128xf32, #tpu.memory_space<vmem_shared>>) target(%dma_start3A_680 : memref<16x128xf32, #tpu.memory_space<hbm>>) target_semaphore(%arg22 : memref<!tpu.dma_semaphore, #tpu.memory_space<semaphore_mem>>)
    %dma_wait3A_683 = arith.constant 1 : i32
    %dma_wait3A_684 = arith.constant 240 : i32
    %dma_wait3A_685 = arith.constant 0 : i32
    %dma_wait3A_686 = tpu.memref_slice %arg10[%dma_wait3A_684, %dma_wait3A_685] : memref<256x128xf32, #tpu.memory_space<vmem>> -> memref<16x128xf32, #tpu.memory_space<vmem>>
    %dma_wait3A_687 = arith.constant 0 : i32
    %dma_wait3A_688 = tpu.memref_slice %arg9[%dma_wait3A_683, %dma_wait3A_687] : memref<2x16xi32, #tpu.memory_space<vmem>> -> memref<1x16xi32, #tpu.memory_space<vmem>>
    %dma_wait3A_689 = tpu.memref_squeeze %dma_wait3A_688 : memref<1x16xi32, #tpu.memory_space<vmem>> -> memref<16xi32, #tpu.memory_space<vmem>>
    %dma_wait3A_690 = arith.constant 0 : i32
    %dma_wait3A_691 = arith.constant 0 : i32
    %dma_wait3A_692 = tpu.memref_slice %arg11[%dma_wait3A_690, %dma_wait3A_691] : memref<4096x128xf32, #tpu.memory_space<vmem_shared>> -> memref<4096x128xf32, #tpu.memory_space<vmem_shared>>
    tpu.wait_indirect_dma semaphore(%arg21 : memref<!tpu.dma_semaphore, #tpu.memory_space<semaphore_mem>>) src(%dma_wait3A_686 : memref<16x128xf32, #tpu.memory_space<vmem>>) dst(%dma_wait3A_692 : memref<4096x128xf32, #tpu.memory_space<vmem_shared>>)
    %add3A_693 = arith.constant 240 : i32
    %add3A_694 = arith.addi %mul3A_22, %add3A_693 : i32
    %add3A_695 = arith.constant 240 : i32
    %add3A_696 = arith.addi %mul3A_20, %add3A_695 : i32
    %dma_start3A_697 = arith.constant 0 : i32
    %dma_start3A_698 = tpu.memref_slice %arg5[%select_n3A, %add3A_696, %dma_start3A_697] : memref<4x2048x128xf32, #tpu.memory_space<hbm>> -> memref<1x16x128xf32, #tpu.memory_space<hbm>>
    %dma_start3A_699 = tpu.memref_squeeze %dma_start3A_698 : memref<1x16x128xf32, #tpu.memory_space<hbm>> -> memref<16x128xf32, #tpu.memory_space<hbm>>
    %dma_start3A_700 = arith.constant 0 : i32
    %dma_start3A_701 = tpu.memref_slice %arg11[%add3A_694, %dma_start3A_700] : memref<4096x128xf32, #tpu.memory_space<vmem_shared>> -> memref<16x128xf32, #tpu.memory_space<vmem_shared>>
    tpu.enqueue_dma source(%dma_start3A_701 : memref<16x128xf32, #tpu.memory_space<vmem_shared>>) target(%dma_start3A_699 : memref<16x128xf32, #tpu.memory_space<hbm>>) target_semaphore(%arg22 : memref<!tpu.dma_semaphore, #tpu.memory_space<semaphore_mem>>)
    %dma_wait3A_702 = arith.constant 0 : i32
    %dma_wait3A_703 = tpu.memref_slice %arg5[%select_n3A, %add3A_431, %dma_wait3A_702] : memref<4x2048x128xf32, #tpu.memory_space<hbm>> -> memref<1x48x128xf32, #tpu.memory_space<hbm>>
    %dma_wait3A_704 = tpu.memref_squeeze %dma_wait3A_703 : memref<1x48x128xf32, #tpu.memory_space<hbm>> -> memref<48x128xf32, #tpu.memory_space<hbm>>
    %dma_wait3A_705 = arith.constant 0 : i32
    %dma_wait3A_706 = tpu.memref_slice %arg11[%add3A_429, %dma_wait3A_705] : memref<4096x128xf32, #tpu.memory_space<vmem_shared>> -> memref<48x128xf32, #tpu.memory_space<vmem_shared>>
    tpu.wait_dma2 semaphore(%arg22 : memref<!tpu.dma_semaphore, #tpu.memory_space<semaphore_mem>>) src(%dma_wait3A_706 : memref<48x128xf32, #tpu.memory_space<vmem_shared>>) dst(%dma_wait3A_704 : memref<48x128xf32, #tpu.memory_space<hbm>>)
    %dma_wait3A_707 = arith.constant 0 : i32
    %dma_wait3A_708 = tpu.memref_slice %arg5[%select_n3A, %add3A_472, %dma_wait3A_707] : memref<4x2048x128xf32, #tpu.memory_space<hbm>> -> memref<1x48x128xf32, #tpu.memory_space<hbm>>
    %dma_wait3A_709 = tpu.memref_squeeze %dma_wait3A_708 : memref<1x48x128xf32, #tpu.memory_space<hbm>> -> memref<48x128xf32, #tpu.memory_space<hbm>>
    %dma_wait3A_710 = arith.constant 0 : i32
    %dma_wait3A_711 = tpu.memref_slice %arg11[%add3A_470, %dma_wait3A_710] : memref<4096x128xf32, #tpu.memory_space<vmem_shared>> -> memref<48x128xf32, #tpu.memory_space<vmem_shared>>
    tpu.wait_dma2 semaphore(%arg22 : memref<!tpu.dma_semaphore, #tpu.memory_space<semaphore_mem>>) src(%dma_wait3A_711 : memref<48x128xf32, #tpu.memory_space<vmem_shared>>) dst(%dma_wait3A_709 : memref<48x128xf32, #tpu.memory_space<hbm>>)
    %dma_wait3A_712 = arith.constant 0 : i32
    %dma_wait3A_713 = tpu.memref_slice %arg5[%select_n3A, %add3A_513, %dma_wait3A_712] : memref<4x2048x128xf32, #tpu.memory_space<hbm>> -> memref<1x32x128xf32, #tpu.memory_space<hbm>>
    %dma_wait3A_714 = tpu.memref_squeeze %dma_wait3A_713 : memref<1x32x128xf32, #tpu.memory_space<hbm>> -> memref<32x128xf32, #tpu.memory_space<hbm>>
    %dma_wait3A_715 = arith.constant 0 : i32
    %dma_wait3A_716 = tpu.memref_slice %arg11[%add3A_511, %dma_wait3A_715] : memref<4096x128xf32, #tpu.memory_space<vmem_shared>> -> memref<32x128xf32, #tpu.memory_space<vmem_shared>>
    tpu.wait_dma2 semaphore(%arg22 : memref<!tpu.dma_semaphore, #tpu.memory_space<semaphore_mem>>) src(%dma_wait3A_716 : memref<32x128xf32, #tpu.memory_space<vmem_shared>>) dst(%dma_wait3A_714 : memref<32x128xf32, #tpu.memory_space<hbm>>)
    %dma_wait3A_717 = arith.constant 0 : i32
    %dma_wait3A_718 = tpu.memref_slice %arg5[%select_n3A, %add3A_554, %dma_wait3A_717] : memref<4x2048x128xf32, #tpu.memory_space<hbm>> -> memref<1x32x128xf32, #tpu.memory_space<hbm>>
    %dma_wait3A_719 = tpu.memref_squeeze %dma_wait3A_718 : memref<1x32x128xf32, #tpu.memory_space<hbm>> -> memref<32x128xf32, #tpu.memory_space<hbm>>
    %dma_wait3A_720 = arith.constant 0 : i32
    %dma_wait3A_721 = tpu.memref_slice %arg11[%add3A_552, %dma_wait3A_720] : memref<4096x128xf32, #tpu.memory_space<vmem_shared>> -> memref<32x128xf32, #tpu.memory_space<vmem_shared>>
    tpu.wait_dma2 semaphore(%arg22 : memref<!tpu.dma_semaphore, #tpu.memory_space<semaphore_mem>>) src(%dma_wait3A_721 : memref<32x128xf32, #tpu.memory_space<vmem_shared>>) dst(%dma_wait3A_719 : memref<32x128xf32, #tpu.memory_space<hbm>>)
    %dma_wait3A_722 = arith.constant 0 : i32
    %dma_wait3A_723 = tpu.memref_slice %arg5[%select_n3A, %add3A_595, %dma_wait3A_722] : memref<4x2048x128xf32, #tpu.memory_space<hbm>> -> memref<1x32x128xf32, #tpu.memory_space<hbm>>
    %dma_wait3A_724 = tpu.memref_squeeze %dma_wait3A_723 : memref<1x32x128xf32, #tpu.memory_space<hbm>> -> memref<32x128xf32, #tpu.memory_space<hbm>>
    %dma_wait3A_725 = arith.constant 0 : i32
    %dma_wait3A_726 = tpu.memref_slice %arg11[%add3A_593, %dma_wait3A_725] : memref<4096x128xf32, #tpu.memory_space<vmem_shared>> -> memref<32x128xf32, #tpu.memory_space<vmem_shared>>
    tpu.wait_dma2 semaphore(%arg22 : memref<!tpu.dma_semaphore, #tpu.memory_space<semaphore_mem>>) src(%dma_wait3A_726 : memref<32x128xf32, #tpu.memory_space<vmem_shared>>) dst(%dma_wait3A_724 : memref<32x128xf32, #tpu.memory_space<hbm>>)
    %dma_wait3A_727 = arith.constant 0 : i32
    %dma_wait3A_728 = tpu.memref_slice %arg5[%select_n3A, %add3A_636, %dma_wait3A_727] : memref<4x2048x128xf32, #tpu.memory_space<hbm>> -> memref<1x32x128xf32, #tpu.memory_space<hbm>>
    %dma_wait3A_729 = tpu.memref_squeeze %dma_wait3A_728 : memref<1x32x128xf32, #tpu.memory_space<hbm>> -> memref<32x128xf32, #tpu.memory_space<hbm>>
    %dma_wait3A_730 = arith.constant 0 : i32
    %dma_wait3A_731 = tpu.memref_slice %arg11[%add3A_634, %dma_wait3A_730] : memref<4096x128xf32, #tpu.memory_space<vmem_shared>> -> memref<32x128xf32, #tpu.memory_space<vmem_shared>>
    tpu.wait_dma2 semaphore(%arg22 : memref<!tpu.dma_semaphore, #tpu.memory_space<semaphore_mem>>) src(%dma_wait3A_731 : memref<32x128xf32, #tpu.memory_space<vmem_shared>>) dst(%dma_wait3A_729 : memref<32x128xf32, #tpu.memory_space<hbm>>)
    %dma_wait3A_732 = arith.constant 0 : i32
    %dma_wait3A_733 = tpu.memref_slice %arg5[%select_n3A, %add3A_677, %dma_wait3A_732] : memref<4x2048x128xf32, #tpu.memory_space<hbm>> -> memref<1x16x128xf32, #tpu.memory_space<hbm>>
    %dma_wait3A_734 = tpu.memref_squeeze %dma_wait3A_733 : memref<1x16x128xf32, #tpu.memory_space<hbm>> -> memref<16x128xf32, #tpu.memory_space<hbm>>
    %dma_wait3A_735 = arith.constant 0 : i32
    %dma_wait3A_736 = tpu.memref_slice %arg11[%add3A_675, %dma_wait3A_735] : memref<4096x128xf32, #tpu.memory_space<vmem_shared>> -> memref<16x128xf32, #tpu.memory_space<vmem_shared>>
    tpu.wait_dma2 semaphore(%arg22 : memref<!tpu.dma_semaphore, #tpu.memory_space<semaphore_mem>>) src(%dma_wait3A_736 : memref<16x128xf32, #tpu.memory_space<vmem_shared>>) dst(%dma_wait3A_734 : memref<16x128xf32, #tpu.memory_space<hbm>>)
    %dma_wait3A_737 = arith.constant 0 : i32
    %dma_wait3A_738 = tpu.memref_slice %arg5[%select_n3A, %add3A_696, %dma_wait3A_737] : memref<4x2048x128xf32, #tpu.memory_space<hbm>> -> memref<1x16x128xf32, #tpu.memory_space<hbm>>
    %dma_wait3A_739 = tpu.memref_squeeze %dma_wait3A_738 : memref<1x16x128xf32, #tpu.memory_space<hbm>> -> memref<16x128xf32, #tpu.memory_space<hbm>>
    %dma_wait3A_740 = arith.constant 0 : i32
    %dma_wait3A_741 = tpu.memref_slice %arg11[%add3A_694, %dma_wait3A_740] : memref<4096x128xf32, #tpu.memory_space<vmem_shared>> -> memref<16x128xf32, #tpu.memory_space<vmem_shared>>
    tpu.wait_dma2 semaphore(%arg22 : memref<!tpu.dma_semaphore, #tpu.memory_space<semaphore_mem>>) src(%dma_wait3A_741 : memref<16x128xf32, #tpu.memory_space<vmem_shared>>) dst(%dma_wait3A_739 : memref<16x128xf32, #tpu.memory_space<hbm>>)
    return
  }
}

</mosaic_0001>

<sc_bundles>
// kernel: kernel.3.cloned.1.call-start
scs
__scs_entry_jumppad:
0x0: {  	(pc) =	sbr.rel $0x88, $3  }
0x1: {  	(tag) =	ssettag $0x0;
	lr =	simm.s32 $0x1  }
0x2: {  	[smem:$0x3F9E] =	sst lr;
	_ =	strace $0xD0000000  }
0x3: {  	_ = 	snop  }
0x4: {  	_ = 	snop  }
0x5: {  	_ = 	snop  }
0x6: {  	_ = 	snop  }
0x7: {  	_ = 	snop  }
__scs_overlays_trampoline_lowered:
0x8: {  	[smem:$0x3FAD] =	sst s0  }
0x9: {  	[smem:$0x3FAE] =	sst s1  }
0xa: {  	[smem:$0x3FAF] =	sst s2  }
0xb: {  	[smem:$0x3FB0] =	sst s3  }
0xc: {  	[smem:$0x3FB1] =	sst s4  }
0xd: {  	[smem:$0x3FB2] =	sst s5  }
0xe: {  	[smem:$0x3FB3] =	sst s6  }
0xf: {  	[smem:$0x3FB4] =	sst s7  }
0x10: {  	[smem:$0x3FB5] =	sst s8  }
0x11: {  	[smem:$0x3FB6] =	sst s9;
	s0 =	simm.s32 @!p0 $0x0  }
0x12: {  	s1 =	sld [smem:$0x3F9C];
	s0 =	simm.s32 @p0 $0x1  }
0x13: {  	[smem:$0x3FB7] =	sst s0;
	s0 =	simm.s32 @!p1 $0x0  }
0x14: {  	s2 =	sld [smem:$0x3F9B];
	s0 =	simm.s32 @p1 $0x1  }
0x15: {  	[smem:$0x3FB8] =	sst s0;
	s0 =	simm.s32 @!p2 $0x0  }
0x16: {  	s3 =	sld [smem:$0x3FDB];
	s0 =	simm.s32 @p2 $0x1  }
0x17: {  	s4 =	simm.s32 $0x1BF5;
	[smem:$0x3FBA] =	sst s0  }
0x18: {  	s0 =	sld [smem:$0x3F9D];
	_ =	swait.ge [sflag:s4], $0x0  }
0x19: {  	s7 =	sld [smem:$0x3F9E]  }
0x1a: {  	s8 =	sadd.s32 $0xFFFFE003, lr  }
0x1b: {  	s9 =	sadd.s32 $0xFFFFFEF7, lr;
	s5 =	simm.s32 $0xFFFFFFFF;
	p2 =	slt.u32 s8, $0xFFFFF086  }
0x1c: {  	p1 =	slt.u32 s9, $0xF7A;
	s5 =	simm.s32 @!p2 $0x0  }
0x1d: {  	s5 =	simm.s32 @p1 $0x1;
	p0 =	seq.s32 s7, s2  }
0x1e: {  	s7 =	smul.u32 @!p0 $0xF7A, s2;
	p2 =	seq.s32 @!p0 s5, $0x0  }
0x1f: {  	s9 =	smul.u32 $0xF7A, s1;
	s8 =	simm.s32 @!p0 $0x1BF5;
	p2 =	por !p2, p0  }
0x20: {  	[sflag:s8] =	ssyncset.s32 @!p0 $0xFFFFF086;
	s6 =	sadd.s32 @!p0 s3, s7;
	s7 =	simm.s32 @!p0 $0x108  }
0x21: {  	s3 =	sadd.s32 s3, s9;
	s6 =	sadd.s32 @!p0 $0x88, s6;
	s7 =	simm.s32 @p2 $0x1082  }
0x22: {  	[simem:s7], [sflag:s8] =	dma.local @!p0 [hbm:s6], $0xF7A  }
0x23: {  	s9 =	sor.u32 $0xD0000000, s2;
	s6 =	simm.s32 $0x108;
	_ =	swait.ge @!p0 [sflag:s8], $0x0  }
0x24: {  	s3 =	sadd.s32 $0x88, s3;
	s6 =	simm.s32 @!p1 $0x1082;
	[sflag:s4] =	ssyncset.s32 $0xFFFFF086  }
0x25: {  	[simem:s6], [sflag:s4] =	dma.local [hbm:s3], $0xF7A  }
0x26: {  	[smem:$0x3F9E] =	sst s1;
	(tag) =	ssettag s2;
	_ =	strace s9  }
0x27: {  	s1 =	sld [smem:$0x3FAE]  }
0x28: {  	s2 =	sld [smem:$0x3FAF]  }
0x29: {  	s4 =	sld [smem:$0x3FB1]  }
0x2a: {  	p0 =	seq.s32 s5, $0x0;
	s5 =	sld [smem:$0x3FB2]  }
0x2b: {  	s6 =	sld [smem:$0x3FB3]  }
0x2c: {  	s7 =	sld [smem:$0x3FB4]  }
0x2d: {  	s3 =	simm.s32 $0x108;
	s8 =	sld [smem:$0x3FB5]  }
0x2e: {  	s3 =	simm.s32 @!p0 $0x1082;
	s9 =	sld [smem:$0x3FB6]  }
0x2f: {  	lr =	sadd.s32 s0, s3;
	s0 =	sld [smem:$0x3FAD]  }
0x30: {  	s3 =	sld [smem:$0x3FB0]  }
0x31: {  	[smem:$0x3FB9] =	sst s10  }
0x32: {  	s10 =	sld [smem:$0x3FB7];
	_ =	sdelay $0x3  }
0x33: {  	p0 =	seq.s32 s10, $0x1;
	s10 =	sld [smem:$0x3FB9];
	_ =	sdelay $0x3  }
0x34: {  	[smem:$0x3FB9] =	sst s10  }
0x35: {  	s10 =	sld [smem:$0x3FB8];
	_ =	sdelay $0x3  }
0x36: {  	p1 =	seq.s32 s10, $0x1;
	s10 =	sld [smem:$0x3FB9];
	_ =	sdelay $0x3  }
0x37: {  	[smem:$0x3FB9] =	sst s10  }
0x38: {  	s10 =	sld [smem:$0x3FBA]  }
0x39: {  	_ = 	snop;
	(pc) =	sbr.ind lr, $3  }
0x3a: {  	_ = 	snop  }
0x3b: {  	_ = 	snop  }
0x3c: {  	p2 =	seq.s32 s10, $0x1;
	s10 =	sld [smem:$0x3FB9]  }
0x3d: {  	_ =	shalt  }
0x3e: {  	_ =	shalt  }
0x3f: {  	_ =	shalt  }
0x40: {  	_ =	shalt  }
0x41: {  	_ =	shalt  }
0x42: {  	_ =	shalt  }
0x43: {  	_ =	shalt  }
0x44: {  	_ =	shalt  }
0x45: {  	_ =	shalt  }
0x46: {  	_ =	shalt  }
0x47: {  	_ =	shalt  }
0x48: {  	_ =	shalt  }
0x49: {  	_ =	shalt  }
0x4a: {  	_ =	shalt  }
0x4b: {  	_ =	shalt  }
0x4c: {  	_ =	shalt  }
0x4d: {  	_ =	shalt  }
0x4e: {  	_ =	shalt  }
0x4f: {  	_ =	shalt  }
0x50: {  	_ =	shalt  }
0x51: {  	_ =	shalt  }
0x52: {  	_ =	shalt  }
0x53: {  	_ =	shalt  }
0x54: {  	_ =	shalt  }
0x55: {  	_ =	shalt  }
0x56: {  	_ =	shalt  }
0x57: {  	_ =	shalt  }
0x58: {  	_ =	shalt  }
0x59: {  	_ =	shalt  }
0x5a: {  	_ =	shalt  }
0x5b: {  	_ =	shalt  }
0x5c: {  	_ =	shalt  }
0x5d: {  	_ =	shalt  }
0x5e: {  	_ =	shalt  }
0x5f: {  	_ =	shalt  }
0x60: {  	_ =	shalt  }
0x61: {  	_ =	shalt  }
0x62: {  	_ =	shalt  }
0x63: {  	_ =	shalt  }
0x64: {  	_ =	shalt  }
0x65: {  	_ =	shalt  }
0x66: {  	_ =	shalt  }
0x67: {  	_ =	shalt  }
0x68: {  	_ =	shalt  }
0x69: {  	_ =	shalt  }
0x6a: {  	_ =	shalt  }
0x6b: {  	_ =	shalt  }
0x6c: {  	_ =	shalt  }
0x6d: {  	_ =	shalt  }
0x6e: {  	_ =	shalt  }
0x6f: {  	_ =	shalt  }
0x70: {  	_ =	shalt  }
0x71: {  	_ =	shalt  }
0x72: {  	_ =	shalt  }
0x73: {  	_ =	shalt  }
0x74: {  	_ =	shalt  }
0x75: {  	_ =	shalt  }
0x76: {  	_ =	shalt  }
0x77: {  	_ =	shalt  }
0x78: {  	_ =	shalt  }
0x79: {  	_ =	shalt  }
0x7a: {  	_ =	shalt  }
0x7b: {  	_ =	shalt  }
0x7c: {  	_ =	shalt  }
0x7d: {  	_ =	shalt  }
0x7e: {  	_ =	shalt  }
0x7f: {  	_ =	shalt  }
0x80: {  	_ =	shalt  }
0x81: {  	_ =	shalt  }
0x82: {  	_ =	shalt  }
0x83: {  	_ =	shalt  }
0x84: {  	_ =	shalt  }
0x85: {  	_ =	shalt  }
0x86: {  	_ =	shalt  }
0x87: {  	_ =	shalt  }
.Lfunc_end0:
.L_simem_size_0:
called_computation_lowered:
.L_overlay_start_0:
0x88: {  	s2 =	sld [smem:$0x3FD9]  }
0x89: {  	s3 =	sld [smem:$0x3FFE];
	_ =	sdelay $0x1  }
0x8a: {  	s1 =	srdreg.scid  }
0x8b: {  	s0 =	sand.u32 $0x1, s1  }
0x8c: {  	s18 =	sshll.u32 s0, $0xA;
	s2 =	sadd.s32 s3, s2  }
0x8d: {  	s2 =	sadd.s32 s2, s18  }
0x8e: {  	[smem:$0x3FC5] =	sst s2  }
0x8f: {  	_ = 	snop  }
0x90: {  	s2 =	sld [smem:$0x3FC9]  }
0x91: {  	s19 =	sld [smem:$0x3FC8]  }
0x92: {  	s4 =	sld [smem:$0x3FC7]  }
0x93: {  	s5 =	sld [smem:$0x3FD0];
	(tm) =	ssettm $0x1  }
0x94: {  	s6 =	sld [smem:$0x3FFB];
	_ =	sdelay $0x3  }
0x95: {  	_ =	strace s6  }
0x96: {  	s6 =	sld [smem:$0x3FFC];
	_ =	sdelay $0x3  }
0x97: {  	_ =	strace s6  }
0x98: {  	s6 =	sld [smem:$0x3FFD];
	_ =	sdelay $0x3  }
0x99: {  	_ =	strace s6  }
0x9a: {  	_ =	strace $0x8FFFFFFF  }
0x9b: {  	s20 =	sld [smem:$0x3FDB];
	_ =	sdelay $0x1  }
0x9c: {  	s7 =	simm.s32 $_scs_section_size  }
0x9d: {  	s8 =	simm.s32 $_size__tile_overlayer_lowered;
	s9 =	simm.s32 $_tile_overlayer_lowered  }
0x9e: {  	s23 =	simm.s32 $0x1BFF;
	s22 =	sshll.u32 s9, $0x1;
	s6 =	sadd.s32 s7, s20  }
0x9f: {  	s10 =	simm.s32 $0x0;
	s21 =	sshll.u32 s8, $0x1;
	s8 =	sadd.s32 s22, s6  }
0xa0: {  	[timem:s10], [sflag:s23] =	dma.local [hbm:s8], s21  }
0xa1: {  	_ =	swait.ge [sflag:s23], s21  }
0xa2: {  	s7 =	ssub.s32 $0x0, s21;
	[sflag:s23] =	ssyncset.done $0x0  }
0xa3: {  	[sflag:s23] =	ssyncadd.s32 s7;
	_ =	sdelay $0x1  }
0xa4: {  	s24 =	simm.s32 $0x1B8B  }
0xa5: {  	_ =	swait.ge [sflag:s24], $0x1  }
0xa6: {  	[sflag:s24] =	ssyncset.done $0x0  }
0xa7: {  	s25 =	simm.s32 $0x1B8E;
	[sflag:s24] =	ssyncadd.s32 $0xFFFFFFFF  }
0xa8: {  	s26 =	simm.s32 $execute0_lowered;
	[smem:$0x3FD2] =	sst s25  }
0xa9: {  	s7 =	sshll.u32 s26, $0x1;
	_ =	strace $0x80000046;
	[dreg:$0x1] =	wrdreg $0xFFFFFFFF  }
0xaa: {  	s28 =	simm.s32 $_size_execute0_lowered;
	s6 =	sadd.s32 s6, s7;
	[dreg:$0x0] =	wrdreg $0x0  }
0xab: {  	s7 =	sshll.u32 s28, $0x1;
	[dreg:$0x2] =	wrdreg s6  }
0xac: {  	[dreg:$0x3] =	wrdreg s7  }
0xad: {  	[dreg:$0x4] =	wrdreg $0xC0  }
0xae: {  	_ =	task [dreg:s10], $0x5FFFF  }
0xaf: {  	[dreg:$0x1] =	wrdreg $0xFFFFFFFF  }
0xb0: {  	[dreg:$0x0] =	wrdreg $0x60  }
0xb1: {  	[dreg:$0x2] =	wrdreg s2  }
0xb2: {  	[dreg:$0x3] =	wrdreg s19  }
0xb3: {  	[dreg:$0x4] =	wrdreg s4  }
0xb4: {  	[dreg:$0x5] =	wrdreg s5  }
0xb5: {  	[dreg:$0x6] =	wrdreg $0x85000  }
0xb6: {  	[dreg:$0x7] =	wrdreg $0x9  }
0xb7: {  	_ =	task.clear_ibuf [dreg:s10], $0x8FFFF;
	_ =	strace $0x90000046  }
0xb8: {  	s29 =	simm.s32 $0x9;
	_ =	strace $0x80000048  }
0xb9: {  	_ =	swait.ge [sflag:s29], $0x1  }
0xba: {  	[sflag:s29] =	ssyncadd.s32 $0xFFFFFFFF  }
0xbb: {  	_ =	strace $0x90000048  }
0xbc: {  	_ =	sfence  }
0xbd: {  	s30 =	sld [smem:$0x0];
	_ =	sdelay $0x2  }
0xbe: {  	s31 =	sshll.u32 s1, $0xD;
	s1 =	sshrl.u32 s1, $0x2  }
0xbf: {  	s3 =	sand.u32 $0x4000, s31;
	s1 =	sadd.s32 s1, s30  }
0xc0: {  	s0 =	sor.u32 s3, s0;
	s1 =	sshll.u32 s1, $0x11  }
0xc1: {  	s0 =	sor.u32 s1, s0  }
0xc2: {  	s0 =	sadd.s32 $0x8F2B, s0  }
0xc3: {  	[sflag:s0] =	ssyncadd.remote.s32 $0x1  }
0xc4: {  	_ =	sfence.sel $0xFFFF  }
0xc5: {  	[dreg:$0x0] =	wrdreg $0xFFFFFFFF;
	(pc) =	sbr.abs _section_cstart, $3  }
0xc6: {  	[dreg:$0x1] =	wrdreg $0xFFFFFFFF  }
0xc7: {  	_ =	task.clear_ibuf [dreg:s10], $0x2FFFF;
	_ =	strace $0x9FFFFFFF  }
0xc8: {  	(tm) =	ssettm $0x7FFFFFFF  }
0xc9: {  	_ =	shalt  }
tec
execute0_lowered:
.L_overlay_start_1:
0x0: {  	(tag) =	ssettag $0x1  }
0x1: {  	s1 =	rddreg [dreg:$0x0]  }
0x2: {  	s2 =	rddreg [dreg:$0x1]  }
0x3: {  	s16 =	stileid.u32;
	s5 =	rddreg [dreg:$0x2]  }
0x4: {  	s3 =	srdreg.scid;
	s0 =	rddreg [dreg:$0x3];
	s4 =	sshll.u32 s16, $0x1  }
0x5: {  	s29 =	sand.u32 $0x1, s3;
	s3 =	rddreg [dreg:$0x4];
	s4 =	sand.u32 $0x6, s4  }
0x6: {  	s7 =	sshrl.u32 s16, $0x2;
	s12 =	sshll.u32 s16, $0x6;
	s6 =	sor.u32 s29, s4  }
0x7: {  	s9 =	sshll.u32 s7, $0x7;
	s17 =	sor.u32 $0x1C03, s12;
	s4 =	sshll.u32 s6, $0x8  }
0x8: {  	s8 =	sshll.u32 s6, $0xA;
	s10 =	sor.u32 $0x80, s4;
	s4 =	simm.s32 $0x0  }
0x9: {  	s8 =	sor.u32 s9, s8;
	s11 =	sshll.u32 s10, $0x2;
	[smem:$0x7FF] =	sst s4  }
0xa: {  	s8 =	sshrl.u32 s8, $0x3;
	s23 =	sshll.u32 s10, $0x4;
	s9 =	sor.u32 s9, s11  }
0xb: {  	_ =	strace $0x80000047;
	s8 =	sadd.s32 s1, s8;
	[dreg:$0x9] =	wrdreg s17  }
0xc: {  	s9 =	sshrl.u32 s9, $0x3;
	[dreg:$0x6] =	wrdreg s8;
	s8 =	sadd.s32 s5, s23  }
0xd: {  	s31 =	sshll.u32 s6, $0xC;
	s1 =	sadd.s32 s1, s9;
	[dreg:$0xc] =	wrdreg s8  }
0xe: {  	s7 =	sshll.u32 s7, $0x12;
	s9 =	sadd.s32 s5, s31;
	[dreg:$0x7] =	wrdreg s1  }
0xf: {  	s10 =	sshll.u32 s10, $0x7;
	s1 =	sshll.u32 s6, $0xF;
	[dreg:$0x8] =	wrdreg s9  }
0x10: {  	s9 =	simm.s32 $0xA0;
	s11 =	sor.u32 $0x1800, s1;
	s19 =	sor.u32 $0x3000, s1  }
0x11: {  	s24 =	sor.u32 $0x5000, s1;
	s14 =	sor.u32 $0x6000, s1;
	s15 =	sor.u32 $0x7800, s1  }
0x12: {  	[dreg:$0x1a] =	wrdreg s9;
	s18 =	sshrl.u32 s11, $0x3;
	s21 =	sshrl.u32 s19, $0x3  }
0x13: {  	s13 =	sshrl.u32 s24, $0x3;
	s6 =	sor.u32 s7, s11;
	s11 =	simm.s32 $0xE0  }
0x14: {  	s26 =	sshrl.u32 s14, $0x3;
	s20 =	sadd.s32 s5, s18;
	[dreg:$0x1c] =	wrdreg s11  }
0x15: {  	s31 =	sshrl.u32 s15, $0x3;
	s22 =	sadd.s32 s5, s21;
	[dreg:$0xa] =	wrdreg s20  }
0x16: {  	s19 =	sor.u32 s7, s19;
	s25 =	sadd.s32 s5, s13;
	[dreg:$0xb] =	wrdreg s22  }
0x17: {  	s28 =	sadd.s32 s5, s26;
	s17 =	sshrl.u32 s6, $0x3;
	[dreg:$0xd] =	wrdreg s25  }
0x18: {  	s21 =	sor.u32 s7, s10;
	s10 =	simm.s32 $0xC0;
	[dreg:$0xe] =	wrdreg s28  }
0x19: {  	s26 =	sor.u32 s7, s14;
	s14 =	simm.s32 $0x100;
	[dreg:$0x1b] =	wrdreg s10  }
0x1a: {  	s13 =	sor.u32 $0x7000, s1;
	s18 =	sadd.s32 s0, s17;
	[dreg:$0x1e] =	wrdreg s14  }
0x1b: {  	s1 =	sor.u32 s7, s1;
	s17 =	simm.s32 $0x200;
	[dreg:$0x12] =	wrdreg s18  }
0x1c: {  	s20 =	sshrl.u32 s19, $0x3;
	s19 =	simm.s32 $0x300;
	[smem:$0x7F1] =	sst s17  }
0x1d: {  	s30 =	sshrl.u32 s13, $0x3;
	s22 =	sor.u32 s7, s24;
	[smem:$0x7F5] =	sst s19  }
0x1e: {  	s8 =	sadd.s32 s5, s30;
	s24 =	sshrl.u32 s22, $0x3;
	s22 =	rddreg [dreg:$0x9]  }
0x1f: {  	s1 =	sshrl.u32 s1, $0x3;
	s5 =	sadd.s32 s5, s31;
	[dreg:$0xf] =	wrdreg s8  }
0x20: {  	s1 =	sadd.s32 s0, s1;
	[dreg:$0x10] =	wrdreg s5  }
0x21: {  	s30 =	sor.u32 s7, s13;
	s13 =	simm.s32 $0xF0;
	[dreg:$0x11] =	wrdreg s1  }
0x22: {  	s31 =	sor.u32 s7, s15;
	s15 =	simm.s32 $0x180;
	[dreg:$0x1d] =	wrdreg s13  }
0x23: {  	s18 =	simm.s32 $0x280;
	[dreg:$0x1f] =	wrdreg s15  }
0x24: {  	[smem:$0x7F3] =	sst s18  }
0x25: {  	s1 =	sadd.s32 s0, s20;
	s7 =	sshrl.u32 s31, $0x3;
	s31 =	rddreg [dreg:$0x7]  }
0x26: {  	s25 =	sadd.s32 s0, s24;
	[dreg:$0x13] =	wrdreg s1  }
0x27: {  	s8 =	simm.s32 $0x60;
	[dreg:$0x15] =	wrdreg s25  }
0x28: {  	s20 =	simm.s32 $0x380;
	[dreg:$0x19] =	wrdreg s8  }
0x29: {  	s5 =	sshrl.u32 s21, $0x3;
	s21 =	simm.s32 $0x400;
	[smem:$0x7F7] =	sst s20  }
0x2a: {  	s28 =	sshrl.u32 s26, $0x3;
	[smem:$0x7F9] =	sst s21  }
0x2b: {  	s24 =	sshll.u32 s16, $0xF;
	s13 =	sor.u32 $0x1C04, s12;
	s25 =	rddreg [dreg:$0x6]  }
0x2c: {  	s23 =	sadd.s32 s0, s5;
	s1 =	sadd.s32 s0, s28;
	s28 =	rddreg [dreg:$0x8]  }
0x2d: {  	s18 =	sor.u32 $0x1C06, s12;
	s5 =	sshrl.u32 s30, $0x3;
	[dreg:$0x14] =	wrdreg s23  }
0x2e: {  	s26 =	sadd.s32 s24, s3;
	s30 =	simm.s32 $0x480;
	[dreg:$0x16] =	wrdreg s1  }
0x2f: {  	[tilespmem:s4], [sflag:$0x1] =	stream.linear.gather [hbm4b:s25+s4], $0x80, $0x38;
	[tilespmem:$0x10500] =	vst v63  }
0x30: {  	s20 =	sor.u32 $0x1C07, s12;
	s5 =	sadd.s32 s0, s5;
	[smem:$0x7FB] =	sst s30  }
0x31: {  	s0 =	sadd.s32 s0, s7;
	s23 =	simm.s32 $0x80;
	[dreg:$0x17] =	wrdreg s5  }
0x32: {  	s24 =	sshrl.u32 s26, $0x3;
	[dreg:$0x18] =	wrdreg s0;
	s0 =	sshll.u32 s16, $0x8  }
0x33: {  	[tilespmem:s23], [sflag:$0x2] =	stream.linear.gather [hbm4b:s31+s4], $0x80, $0x38;
	[tilespmem:$0x10500] =	vst v63  }
0x34: {  	s16 =	sor.u32 $0x1C05, s12;
	s1 =	sor.u32 $0x30, s0;
	s5 =	sor.u32 $0x60, s0  }
0x35: {  	[spmem:s24], [sflag:s22] =	dma.local [hbm:s28], $0x300  }
0x36: {  	s25 =	sor.u32 $0xE0, s0;
	s30 =	sor.u32 $0xF0, s0;
	s10 =	sshll.u32 s1, $0x7  }
0x37: {  	[smem:$0x7E9] =	sst s13;
	s14 =	sshll.u32 s5, $0x7;
	s11 =	sadd.s32 s10, s3  }
0x38: {  	s22 =	sor.u32 $0x1C08, s12;
	s8 =	rddreg [dreg:$0xa];
	s7 =	sshrl.u32 s11, $0x3  }
0x39: {  	[spmem:s7], [sflag:s13] =	dma.local [hbm:s8], $0x300  }
0x3a: {  	s8 =	sadd.s32 s14, s3;
	s14 =	sor.u32 $0x80, s0;
	[smem:$0x7EA] =	sst s16  }
0x3b: {  	s15 =	rddreg [dreg:$0xb];
	s9 =	sshrl.u32 s8, $0x3;
	s17 =	sshll.u32 s14, $0x7  }
0x3c: {  	[spmem:s9], [sflag:s16] =	dma.local [hbm:s15], $0x200  }
0x3d: {  	s8 =	sadd.s32 s17, s3;
	s16 =	sor.u32 $0xA0, s0;
	[smem:$0x7EB] =	sst s18  }
0x3e: {  	s10 =	rddreg [dreg:$0xc];
	s11 =	sshrl.u32 s8, $0x3;
	s19 =	sshll.u32 s16, $0x7  }
0x3f: {  	[spmem:s11], [sflag:s18] =	dma.local [hbm:s10], $0x200  }
0x40: {  	s8 =	sadd.s32 s19, s3;
	s18 =	sor.u32 $0xC0, s0;
	[smem:$0x7EC] =	sst s20  }
0x41: {  	s10 =	rddreg [dreg:$0xd];
	s13 =	sshrl.u32 s8, $0x3;
	s21 =	sshll.u32 s18, $0x7  }
0x42: {  	[spmem:s13], [sflag:s20] =	dma.local [hbm:s10], $0x200  }
0x43: {  	s26 =	sshll.u32 s25, $0x7;
	s8 =	sadd.s32 s21, s3;
	[smem:$0x7ED] =	sst s22  }
0x44: {  	s28 =	sor.u32 $0x1C09, s12;
	s10 =	rddreg [dreg:$0xe];
	s15 =	sshrl.u32 s8, $0x3  }
0x45: {  	[spmem:s15], [sflag:s22] =	dma.local [hbm:s10], $0x200  }
0x46: {  	s31 =	sshll.u32 s30, $0x7;
	s10 =	sadd.s32 s26, s3;
	[smem:$0x7EE] =	sst s28  }
0x47: {  	s21 =	sor.u32 $0x1C0A, s12;
	s19 =	rddreg [dreg:$0xf];
	s17 =	sshrl.u32 s10, $0x3  }
0x48: {  	[spmem:s17], [sflag:s28] =	dma.local [hbm:s19], $0x100  }
0x49: {  	v15 =	vlaneseq.u32;
	s19 =	sadd.s32 s31, s3;
	[smem:$0x7EF] =	sst s21  }
0x4a: {  	s6 =	sor.u32 $0xD0, s0;
	v0 =	vor.u32 s30, v15;
	s20 =	rddreg [dreg:$0x10];
	s19 =	sshrl.u32 s19, $0x3  }
0x4b: {  	v1 =	vor.u32 s25, v15;
	[spmem:s19], [sflag:s21] =	dma.local [hbm:s20], $0x100;
	[tilespmem:$0x480] =	vst v0  }
0x4c: {  	v2 =	vor.u32 s6, v15;
	[tilespmem:$0x400] =	vst v1  }
0x4d: {  	v3 =	vor.u32 s18, v15;
	s10 =	sor.u32 $0xB0, s0;
	[tilespmem:$0x390] =	vst v2  }
0x4e: {  	v4 =	vor.u32 s10, v15;
	[tilespmem:$0x380] =	vst v3  }
0x4f: {  	v5 =	vor.u32 s16, v15;
	s18 =	sor.u32 $0x90, s0;
	[tilespmem:$0x310] =	vst v4  }
0x50: {  	v6 =	vor.u32 s18, v15;
	[tilespmem:$0x300] =	vst v5  }
0x51: {  	v7 =	vor.u32 s14, v15;
	[tilespmem:$0x290] =	vst v6  }
0x52: {  	v9 =	vor.u32 s5, v15;
	s22 =	sor.u32 $0x40, s0;
	[tilespmem:$0x280] =	vst v7  }
0x53: {  	v11 =	vor.u32 s22, v15;
	[tilespmem:$0x200] =	vst v9  }
0x54: {  	s25 =	sor.u32 $0x20, s0;
	v12 =	vor.u32 s1, v15;
	[tilespmem:$0x190] =	vst v11  }
0x55: {  	v13 =	vor.u32 s25, v15;
	[tilespmem:$0x180] =	vst v12  }
0x56: {  	v14 =	vor.u32 s0, v15;
	s20 =	sor.u32 $0x70, s0;
	[tilespmem:$0x120] =	vst v13  }
0x57: {  	s21 =	sor.u32 $0x50, s0;
	[tilespmem:$0x100] =	vst v14;
	v8 =	vor.u32 s20, v15  }
0x58: {  	s0 =	sor.u32 $0x10, s0;
	v10 =	vor.u32 s21, v15;
	[tilespmem:$0x210] =	vst v8  }
0x59: {  	v15 =	vor.u32 s0, v15;
	[tilespmem:$0x1A0] =	vst v10  }
0x5a: {  	s26 =	simm.s32 $0x1;
	[tilespmem:$0x110] =	vst v15  }
0x5b: {  	_ =	swait.ge [sflag:s26], $0x80  }
0x5c: {  	[sflag:s26] =	ssyncset.done $0x0  }
0x5d: {  	s16 =	simm.s32 $0x30;
	s28 =	simm.s32 $0x500;
	[sflag:s26] =	ssyncadd.s32 $0xFFFFFF80  }
0x5e: {  	[tilespmem:s28], [sflag:$0x3] =	stream.indirect.gather [hbm4b:s2+s16], $0x80, s4, s16, $0xb8;
	[tilespmem:$0x10500] =	vst v63  }
0x5f: {  	s30 =	simm.s32 $0x1D00;
	s1 =	simm.s32 $0x2  }
0x60: {  	[tilespmem:s30], [sflag:$0x4] =	stream.indirect.gather [hbm4b:s2+s16], $0x80, s16, s16, $0xb8;
	[tilespmem:$0x10500] =	vst v63  }
0x61: {  	s18 =	simm.s32 $0x3500;
	s31 =	rddreg [dreg:$0x19];
	s26 =	simm.s32 $0x20  }
0x62: {  	[tilespmem:s18], [sflag:$0x5] =	stream.indirect.gather [hbm4b:s2+s26], $0x80, s31, s26, $0xb8;
	[tilespmem:$0x10500] =	vst v63  }
0x63: {  	_ =	swait.ge [sflag:s1], $0x80  }
0x64: {  	[sflag:s1] =	ssyncset.done $0x0  }
0x65: {  	s6 =	simm.s32 $0x4500;
	[sflag:s1] =	ssyncadd.s32 $0xFFFFFF80  }
0x66: {  	[tilespmem:s6], [sflag:$0x6] =	stream.indirect.gather [hbm4b:s2+s26], $0x80, s23, s26, $0xb8;
	[tilespmem:$0x10500] =	vst v63  }
0x67: {  	s21 =	simm.s32 $0x5500;
	s5 =	rddreg [dreg:$0x1a]  }
0x68: {  	[tilespmem:s21], [sflag:$0x7] =	stream.indirect.gather [hbm4b:s2+s26], $0x80, s5, s26, $0xb8;
	[tilespmem:$0x10500] =	vst v63  }
0x69: {  	s0 =	simm.s32 $0x6500;
	s8 =	rddreg [dreg:$0x1b]  }
0x6a: {  	[tilespmem:s0], [sflag:$0x8] =	stream.indirect.gather [hbm4b:s2+s26], $0x80, s8, s26, $0xb8;
	[tilespmem:$0x10500] =	vst v63  }
0x6b: {  	s22 =	simm.s32 $0x7500;
	s10 =	rddreg [dreg:$0x1c];
	s1 =	simm.s32 $0x10  }
0x6c: {  	[tilespmem:s22], [sflag:$0x9] =	stream.indirect.gather [hbm4b:s2+s1], $0x80, s10, s1, $0xb8;
	[tilespmem:$0x10500] =	vst v63  }
0x6d: {  	s20 =	rddreg [dreg:$0x1d];
	s23 =	simm.s32 $0x3;
	s5 =	simm.s32 $0x7D00  }
0x6e: {  	[tilespmem:s5], [sflag:$0xA] =	stream.indirect.gather [hbm4b:s2+s1], $0x80, s20, s1, $0xb8;
	[tilespmem:$0x10500] =	vst v63  }
0x6f: {  	_ =	swait.ge [sflag:s23], $0x300  }
0x70: {  	[sflag:s23] =	ssyncset.done $0x0  }
0x71: {  	[sflag:s23] =	ssyncadd.s32 $0xFFFFFD00  }
0x72: {  	_ =	swait.ge [sflag:s23], $0x1800  }
0x73: {  	[sflag:s23] =	ssyncset.done $0x0  }
0x74: {  	s10 =	simm.s32 $0x4;
	s25 =	rddreg [dreg:$0x1e];
	[sflag:s23] =	ssyncadd.s32 $0xFFFFE800  }
0x75: {  	[spmem:s3] =	stream.indirect.scatter.add.f32 [tilespmem:s28], [sflag:$0x3], $0x80, s25, s16, $0xb8;
	[tilespmem:$0x10500] =	vst v63  }
0x76: {  	_ =	swait.ge [sflag:s10], $0x300  }
0x77: {  	[sflag:s10] =	ssyncset.done $0x0  }
0x78: {  	[sflag:s10] =	ssyncadd.s32 $0xFFFFFD00  }
0x79: {  	_ =	swait.ge [sflag:s10], $0x1800  }
0x7a: {  	[sflag:s10] =	ssyncset.done $0x0  }
0x7b: {  	s28 =	rddreg [dreg:$0x1f];
	[sflag:s10] =	ssyncadd.s32 $0xFFFFE800  }
0x7c: {  	[spmem:s3] =	stream.indirect.scatter.add.f32 [tilespmem:s30], [sflag:$0x4], $0x80, s28, s16, $0xb8;
	[tilespmem:$0x10500] =	vst v63  }
0x7d: {  	_ =	swait.ge [sflag:s23], $0x1800  }
0x7e: {  	s14 =	simm.s32 $0x5;
	s30 =	rddreg [dreg:$0x11];
	[sflag:s23] =	ssyncset.done $0x0  }
0x7f: {  	s12 =	sor.u32 $0x1C0B, s12;
	[smem:$0x7F0] =	sst s24;
	[sflag:s23] =	ssyncadd.s32 $0xFFFFE800  }
0x80: {  	[hbm:s30], [sflag:s12] =	dma.local [spmem:s24], $0x300  }
0x81: {  	_ =	swait.ge [sflag:s14], $0x200  }
0x82: {  	[sflag:s14] =	ssyncset.done $0x0  }
0x83: {  	[sflag:s14] =	ssyncadd.s32 $0xFFFFFE00  }
0x84: {  	_ =	swait.ge [sflag:s14], $0x1000  }
0x85: {  	s31 =	sld [smem:$0x7F1]  }
0x86: {  	[sflag:s14] =	ssyncset.done $0x0  }
0x87: {  	[sflag:s14] =	ssyncadd.s32 $0xFFFFF000  }
0x88: {  	[spmem:s3] =	stream.indirect.scatter.add.f32 [tilespmem:s18], [sflag:$0x5], $0x80, s31, s26, $0xb8;
	[tilespmem:$0x10500] =	vst v63  }
0x89: {  	_ =	swait.ge [sflag:s10], $0x1800  }
0x8a: {  	s2 =	rddreg [dreg:$0x12];
	[sflag:s10] =	ssyncset.done $0x0  }
0x8b: {  	s16 =	simm.s32 $0x6;
	[smem:$0x7F2] =	sst s7;
	[sflag:s10] =	ssyncadd.s32 $0xFFFFE800  }
0x8c: {  	[hbm:s2], [sflag:s12] =	dma.local [spmem:s7], $0x300  }
0x8d: {  	_ =	swait.ge [sflag:s16], $0x200  }
0x8e: {  	[sflag:s16] =	ssyncset.done $0x0  }
0x8f: {  	[sflag:s16] =	ssyncadd.s32 $0xFFFFFE00  }
0x90: {  	_ =	swait.ge [sflag:s16], $0x1000  }
0x91: {  	s4 =	sld [smem:$0x7F3]  }
0x92: {  	[sflag:s16] =	ssyncset.done $0x0  }
0x93: {  	[sflag:s16] =	ssyncadd.s32 $0xFFFFF000  }
0x94: {  	[spmem:s3] =	stream.indirect.scatter.add.f32 [tilespmem:s6], [sflag:$0x6], $0x80, s4, s26, $0xb8;
	[tilespmem:$0x10500] =	vst v63  }
0x95: {  	_ =	swait.ge [sflag:s14], $0x1000  }
0x96: {  	s6 =	rddreg [dreg:$0x13];
	[sflag:s14] =	ssyncset.done $0x0  }
0x97: {  	s18 =	simm.s32 $0x7;
	[smem:$0x7F4] =	sst s9;
	[sflag:s14] =	ssyncadd.s32 $0xFFFFF000  }
0x98: {  	[hbm:s6], [sflag:s12] =	dma.local [spmem:s9], $0x200  }
0x99: {  	_ =	swait.ge [sflag:s18], $0x200  }
0x9a: {  	[sflag:s18] =	ssyncset.done $0x0  }
0x9b: {  	[sflag:s18] =	ssyncadd.s32 $0xFFFFFE00  }
0x9c: {  	_ =	swait.ge [sflag:s18], $0x1000  }
0x9d: {  	s7 =	sld [smem:$0x7F5]  }
0x9e: {  	[sflag:s18] =	ssyncset.done $0x0  }
0x9f: {  	[sflag:s18] =	ssyncadd.s32 $0xFFFFF000  }
0xa0: {  	[spmem:s3] =	stream.indirect.scatter.add.f32 [tilespmem:s21], [sflag:$0x7], $0x80, s7, s26, $0xb8;
	[tilespmem:$0x10500] =	vst v63  }
0xa1: {  	_ =	swait.ge [sflag:s16], $0x1000  }
0xa2: {  	s8 =	rddreg [dreg:$0x14];
	[sflag:s16] =	ssyncset.done $0x0  }
0xa3: {  	s20 =	simm.s32 $0x8;
	[smem:$0x7F6] =	sst s11;
	[sflag:s16] =	ssyncadd.s32 $0xFFFFF000  }
0xa4: {  	[hbm:s8], [sflag:s12] =	dma.local [spmem:s11], $0x200  }
0xa5: {  	_ =	swait.ge [sflag:s20], $0x200  }
0xa6: {  	[sflag:s20] =	ssyncset.done $0x0  }
0xa7: {  	[sflag:s20] =	ssyncadd.s32 $0xFFFFFE00  }
0xa8: {  	_ =	swait.ge [sflag:s20], $0x1000  }
0xa9: {  	s9 =	sld [smem:$0x7F7]  }
0xaa: {  	[sflag:s20] =	ssyncset.done $0x0  }
0xab: {  	[sflag:s20] =	ssyncadd.s32 $0xFFFFF000  }
0xac: {  	[spmem:s3] =	stream.indirect.scatter.add.f32 [tilespmem:s0], [sflag:$0x8], $0x80, s9, s26, $0xb8;
	[tilespmem:$0x10500] =	vst v63  }
0xad: {  	_ =	swait.ge [sflag:s18], $0x1000  }
0xae: {  	s11 =	rddreg [dreg:$0x15];
	[sflag:s18] =	ssyncset.done $0x0  }
0xaf: {  	s23 =	simm.s32 $0x9;
	[smem:$0x7F8] =	sst s13;
	[sflag:s18] =	ssyncadd.s32 $0xFFFFF000  }
0xb0: {  	[hbm:s11], [sflag:s12] =	dma.local [spmem:s13], $0x200  }
0xb1: {  	_ =	swait.ge [sflag:s23], $0x100  }
0xb2: {  	[sflag:s23] =	ssyncset.done $0x0  }
0xb3: {  	[sflag:s23] =	ssyncadd.s32 $0xFFFFFF00  }
0xb4: {  	_ =	swait.ge [sflag:s23], $0x800  }
0xb5: {  	s21 =	sld [smem:$0x7F9]  }
0xb6: {  	[sflag:s23] =	ssyncset.done $0x0  }
0xb7: {  	[sflag:s23] =	ssyncadd.s32 $0xFFFFF800  }
0xb8: {  	[spmem:s3] =	stream.indirect.scatter.add.f32 [tilespmem:s22], [sflag:$0x9], $0x80, s21, s1, $0xb8;
	[tilespmem:$0x10500] =	vst v63  }
0xb9: {  	_ =	swait.ge [sflag:s20], $0x1000  }
0xba: {  	s22 =	rddreg [dreg:$0x16];
	[sflag:s20] =	ssyncset.done $0x0  }
0xbb: {  	s24 =	simm.s32 $0xA;
	[smem:$0x7FA] =	sst s15;
	[sflag:s20] =	ssyncadd.s32 $0xFFFFF000  }
0xbc: {  	[hbm:s22], [sflag:s12] =	dma.local [spmem:s15], $0x200  }
0xbd: {  	_ =	swait.ge [sflag:s24], $0x100  }
0xbe: {  	[sflag:s24] =	ssyncset.done $0x0  }
0xbf: {  	[sflag:s24] =	ssyncadd.s32 $0xFFFFFF00  }
0xc0: {  	_ =	swait.ge [sflag:s24], $0x800  }
0xc1: {  	s25 =	sld [smem:$0x7FB]  }
0xc2: {  	[sflag:s24] =	ssyncset.done $0x0  }
0xc3: {  	[sflag:s24] =	ssyncadd.s32 $0xFFFFF800  }
0xc4: {  	[spmem:s3] =	stream.indirect.scatter.add.f32 [tilespmem:s5], [sflag:$0xA], $0x80, s25, s1, $0xb8;
	[tilespmem:$0x10500] =	vst v63  }
0xc5: {  	_ =	swait.ge [sflag:s23], $0x800  }
0xc6: {  	s28 =	rddreg [dreg:$0x17];
	[sflag:s23] =	ssyncset.done $0x0  }
0xc7: {  	[smem:$0x7FC] =	sst s17;
	[sflag:s23] =	ssyncadd.s32 $0xFFFFF800  }
0xc8: {  	[hbm:s28], [sflag:s12] =	dma.local [spmem:s17], $0x100  }
0xc9: {  	s31 =	ssub.s32 $0x2, s29;
	_ =	swait.ge [sflag:s24], $0x800  }
0xca: {  	s29 =	sshrl.u32 s31, $0x1;
	s30 =	rddreg [dreg:$0x18];
	[sflag:s24] =	ssyncset.done $0x0  }
0xcb: {  	s26 =	simm.s32 $0xB;
	[smem:$0x7FD] =	sst s19;
	[sflag:s24] =	ssyncadd.s32 $0xFFFFF800  }
0xcc: {  	[hbm:s30], [sflag:s12] =	dma.local [spmem:s19], $0x100  }
0xcd: {  	s29 =	ssub.s32 s31, s29;
	_ =	swait.ge [sflag:s26], $0x300  }
0xce: {  	s29 =	smax.u32 s29, $0x1;
	[sflag:s26] =	ssyncset.done $0x0  }
0xcf: {  	p0 =	sne.s32 s29, $0x1;
	[sflag:s26] =	ssyncadd.s32 $0xFFFFFD00  }
.Ltmp0:
0xd0: {  	_ =	swait.ge [sflag:s26], $0x300;
	(pc) =	sbr.rel @!p0 .LBB2_3-.Ltmp0, $4  }
0xd1: {  	[sflag:s26] =	ssyncset.done $0x0  }
0xd2: {  	[sflag:s26] =	ssyncadd.s32 $0xFFFFFD00  }
0xd3: {  	_ =	swait.ge [sflag:s26], $0x200  }
0xd4: {  	s29 =	sadd.s32 $0xFFFFFFFF, s29;
	[sflag:s26] =	ssyncset.done $0x0  }
0xd5: {  	s4 =	simm.s32 $0x500;
	s28 =	simm.s32 $0x3500  }
0xd6: {  	s8 =	simm.s32 $0x20;
	s6 =	simm.s32 $0x4500;
	s2 =	simm.s32 $0x6500  }
.LBB2_2:
0xd7: {  	[sflag:s26] =	ssyncadd.s32 $0xFFFFFE00  }
0xd8: {  	_ =	swait.ge [sflag:s26], $0x200  }
0xd9: {  	[sflag:s26] =	ssyncset.done $0x0  }
0xda: {  	[sflag:s26] =	ssyncadd.s32 $0xFFFFFE00  }
0xdb: {  	_ =	swait.ge [sflag:s26], $0x200  }
0xdc: {  	[sflag:s26] =	ssyncset.done $0x0  }
0xdd: {  	[sflag:s26] =	ssyncadd.s32 $0xFFFFFE00  }
0xde: {  	_ =	swait.ge [sflag:s26], $0x200  }
0xdf: {  	[sflag:s26] =	ssyncset.done $0x0  }
0xe0: {  	[sflag:s26] =	ssyncadd.s32 $0xFFFFFE00  }
0xe1: {  	_ =	swait.ge [sflag:s26], $0x100  }
0xe2: {  	[sflag:s26] =	ssyncset.done $0x0  }
0xe3: {  	[sflag:s26] =	ssyncadd.s32 $0xFFFFFF00  }
0xe4: {  	_ =	swait.ge [sflag:s26], $0x100  }
0xe5: {  	s30 =	rddreg [dreg:$0x9]  }
0xe6: {  	s31 =	rddreg [dreg:$0x6]  }
0xe7: {  	[sflag:s26] =	ssyncset.done $0x0;
	s0 =	rddreg [dreg:$0x8]  }
0xe8: {  	s21 =	simm.s32 $0x0;
	s7 =	sld [smem:$0x7F0];
	[sflag:s26] =	ssyncadd.s32 $0xFFFFFF00  }
0xe9: {  	[tilespmem:s21], [sflag:$0x1] =	stream.linear.gather [hbm4b:s31+s21], $0x80, $0x38;
	[tilespmem:$0x10500] =	vst v63  }
0xea: {  	s5 =	rddreg [dreg:$0x7];
	s31 =	simm.s32 $0x80  }
0xeb: {  	[tilespmem:s31], [sflag:$0x2] =	stream.linear.gather [hbm4b:s5+s21], $0x80, $0x38;
	[tilespmem:$0x10500] =	vst v63  }
0xec: {  	[spmem:s7], [sflag:s30] =	dma.local [hbm:s0], $0x300  }
0xed: {  	s3 =	sld [smem:$0x7E9]  }
0xee: {  	s9 =	sld [smem:$0x7F2];
	_ =	sdelay $0x1  }
0xef: {  	s0 =	rddreg [dreg:$0xa]  }
0xf0: {  	[spmem:s9], [sflag:s3] =	dma.local [hbm:s0], $0x300  }
0xf1: {  	s5 =	sld [smem:$0x7EA]  }
0xf2: {  	s11 =	sld [smem:$0x7F4];
	_ =	sdelay $0x1  }
0xf3: {  	s0 =	rddreg [dreg:$0xb]  }
0xf4: {  	[spmem:s11], [sflag:s5] =	dma.local [hbm:s0], $0x200  }
0xf5: {  	s5 =	sld [smem:$0x7EB]  }
0xf6: {  	s13 =	sld [smem:$0x7F6];
	_ =	sdelay $0x1  }
0xf7: {  	s0 =	rddreg [dreg:$0xc]  }
0xf8: {  	[spmem:s13], [sflag:s5] =	dma.local [hbm:s0], $0x200  }
0xf9: {  	s5 =	sld [smem:$0x7EC]  }
0xfa: {  	s15 =	sld [smem:$0x7F8];
	_ =	sdelay $0x1  }
0xfb: {  	s0 =	rddreg [dreg:$0xd]  }
0xfc: {  	[spmem:s15], [sflag:s5] =	dma.local [hbm:s0], $0x200  }
0xfd: {  	s5 =	sld [smem:$0x7ED]  }
0xfe: {  	s17 =	sld [smem:$0x7FA];
	_ =	sdelay $0x1  }
0xff: {  	s0 =	rddreg [dreg:$0xe]  }
0x100: {  	[spmem:s17], [sflag:s5] =	dma.local [hbm:s0], $0x200  }
0x101: {  	s5 =	sld [smem:$0x7EE]  }
0x102: {  	s19 =	sld [smem:$0x7FC];
	_ =	sdelay $0x1  }
0x103: {  	s0 =	rddreg [dreg:$0xf]  }
0x104: {  	[spmem:s19], [sflag:s5] =	dma.local [hbm:s0], $0x100  }
0x105: {  	s5 =	sld [smem:$0x7EF]  }
0x106: {  	s22 =	sld [smem:$0x7FD];
	_ =	sdelay $0x1  }
0x107: {  	s0 =	rddreg [dreg:$0x10]  }
0x108: {  	[spmem:s22], [sflag:s5] =	dma.local [hbm:s0], $0x100;
	[tilespmem:$0x480] =	vst v0  }
0x109: {  	[tilespmem:$0x400] =	vst v1  }
0x10a: {  	[tilespmem:$0x390] =	vst v2  }
0x10b: {  	[tilespmem:$0x380] =	vst v3  }
0x10c: {  	[tilespmem:$0x310] =	vst v4  }
0x10d: {  	[tilespmem:$0x300] =	vst v5  }
0x10e: {  	[tilespmem:$0x290] =	vst v6  }
0x10f: {  	[tilespmem:$0x280] =	vst v7  }
0x110: {  	[tilespmem:$0x210] =	vst v8  }
0x111: {  	[tilespmem:$0x200] =	vst v9  }
0x112: {  	[tilespmem:$0x1A0] =	vst v10  }
0x113: {  	[tilespmem:$0x190] =	vst v11  }
0x114: {  	[tilespmem:$0x180] =	vst v12  }
0x115: {  	[tilespmem:$0x120] =	vst v13  }
0x116: {  	[tilespmem:$0x100] =	vst v14  }
0x117: {  	[tilespmem:$0x110] =	vst v15;
	s5 =	simm.s32 $0x1  }
0x118: {  	_ =	swait.ge [sflag:s5], $0x80  }
0x119: {  	[sflag:s5] =	ssyncset.done $0x0  }
0x11a: {  	[sflag:s5] =	ssyncadd.s32 $0xFFFFFF80  }
0x11b: {  	s1 =	simm.s32 $0x30;
	s3 =	rddreg [dreg:$0x1]  }
0x11c: {  	[tilespmem:s4], [sflag:$0x3] =	stream.indirect.gather [hbm4b:s3+s1], $0x80, s21, s1, $0xb8;
	[tilespmem:$0x10500] =	vst v63  }
0x11d: {  	s21 =	simm.s32 $0x1D00  }
0x11e: {  	[tilespmem:s21], [sflag:$0x4] =	stream.indirect.gather [hbm4b:s3+s1], $0x80, s1, s1, $0xb8;
	[tilespmem:$0x10500] =	vst v63  }
0x11f: {  	s30 =	simm.s32 $0x2;
	s25 =	rddreg [dreg:$0x19]  }
0x120: {  	[tilespmem:s28], [sflag:$0x5] =	stream.indirect.gather [hbm4b:s3+s8], $0x80, s25, s8, $0xb8;
	[tilespmem:$0x10500] =	vst v63  }
0x121: {  	_ =	swait.ge [sflag:s30], $0x80  }
0x122: {  	[sflag:s30] =	ssyncset.done $0x0  }
0x123: {  	[sflag:s30] =	ssyncadd.s32 $0xFFFFFF80  }
0x124: {  	[tilespmem:s6], [sflag:$0x6] =	stream.indirect.gather [hbm4b:s3+s8], $0x80, s31, s8, $0xb8;
	[tilespmem:$0x10500] =	vst v63  }
0x125: {  	s0 =	rddreg [dreg:$0x1a];
	s31 =	simm.s32 $0x5500  }
0x126: {  	[tilespmem:s31], [sflag:$0x7] =	stream.indirect.gather [hbm4b:s3+s8], $0x80, s0, s8, $0xb8;
	[tilespmem:$0x10500] =	vst v63  }
0x127: {  	s25 =	rddreg [dreg:$0x1b]  }
0x128: {  	[tilespmem:s2], [sflag:$0x8] =	stream.indirect.gather [hbm4b:s3+s8], $0x80, s25, s8, $0xb8;
	[tilespmem:$0x10500] =	vst v63  }
0x129: {  	s5 =	simm.s32 $0x10;
	s30 =	rddreg [dreg:$0x1c];
	s25 =	simm.s32 $0x7500  }
0x12a: {  	[tilespmem:s25], [sflag:$0x9] =	stream.indirect.gather [hbm4b:s3+s5], $0x80, s30, s5, $0xb8;
	[tilespmem:$0x10500] =	vst v63  }
0x12b: {  	s0 =	rddreg [dreg:$0x1d];
	s30 =	simm.s32 $0x7D00;
	s25 =	simm.s32 $0x3  }
0x12c: {  	[tilespmem:s30], [sflag:$0xA] =	stream.indirect.gather [hbm4b:s3+s5], $0x80, s0, s5, $0xb8;
	[tilespmem:$0x10500] =	vst v63  }
0x12d: {  	_ =	swait.ge [sflag:s25], $0x300  }
0x12e: {  	[sflag:s25] =	ssyncset.done $0x0  }
0x12f: {  	[sflag:s25] =	ssyncadd.s32 $0xFFFFFD00  }
0x130: {  	_ =	swait.ge [sflag:s25], $0x1800  }
0x131: {  	[sflag:s25] =	ssyncset.done $0x0  }
0x132: {  	s0 =	rddreg [dreg:$0x1e];
	[sflag:s25] =	ssyncadd.s32 $0xFFFFE800  }
0x133: {  	s3 =	rddreg [dreg:$0x4]  }
0x134: {  	[spmem:s3] =	stream.indirect.scatter.add.f32 [tilespmem:s4], [sflag:$0x3], $0x80, s0, s1, $0xb8;
	[tilespmem:$0x10500] =	vst v63  }
0x135: {  	_ =	swait.ge [sflag:s10], $0x300  }
0x136: {  	[sflag:s10] =	ssyncset.done $0x0  }
0x137: {  	[sflag:s10] =	ssyncadd.s32 $0xFFFFFD00  }
0x138: {  	_ =	swait.ge [sflag:s10], $0x1800  }
0x139: {  	[sflag:s10] =	ssyncset.done $0x0  }
0x13a: {  	s0 =	rddreg [dreg:$0x1f];
	[sflag:s10] =	ssyncadd.s32 $0xFFFFE800  }
0x13b: {  	[spmem:s3] =	stream.indirect.scatter.add.f32 [tilespmem:s21], [sflag:$0x4], $0x80, s0, s1, $0xb8;
	[tilespmem:$0x10500] =	vst v63  }
0x13c: {  	_ =	swait.ge [sflag:s25], $0x1800  }
0x13d: {  	[sflag:s25] =	ssyncset.done $0x0  }
0x13e: {  	s21 =	rddreg [dreg:$0x11];
	[sflag:s25] =	ssyncadd.s32 $0xFFFFE800  }
0x13f: {  	[hbm:s21], [sflag:s12] =	dma.local [spmem:s7], $0x300  }
0x140: {  	_ =	swait.ge [sflag:s14], $0x200  }
0x141: {  	[sflag:s14] =	ssyncset.done $0x0  }
0x142: {  	[sflag:s14] =	ssyncadd.s32 $0xFFFFFE00  }
0x143: {  	_ =	swait.ge [sflag:s14], $0x1000  }
0x144: {  	s1 =	sld [smem:$0x7F1]  }
0x145: {  	[sflag:s14] =	ssyncset.done $0x0  }
0x146: {  	[sflag:s14] =	ssyncadd.s32 $0xFFFFF000  }
0x147: {  	[spmem:s3] =	stream.indirect.scatter.add.f32 [tilespmem:s28], [sflag:$0x5], $0x80, s1, s8, $0xb8;
	[tilespmem:$0x10500] =	vst v63  }
0x148: {  	_ =	swait.ge [sflag:s10], $0x1800  }
0x149: {  	[sflag:s10] =	ssyncset.done $0x0  }
0x14a: {  	s7 =	rddreg [dreg:$0x12];
	[sflag:s10] =	ssyncadd.s32 $0xFFFFE800  }
0x14b: {  	[hbm:s7], [sflag:s12] =	dma.local [spmem:s9], $0x300  }
0x14c: {  	_ =	swait.ge [sflag:s16], $0x200  }
0x14d: {  	[sflag:s16] =	ssyncset.done $0x0  }
0x14e: {  	[sflag:s16] =	ssyncadd.s32 $0xFFFFFE00  }
0x14f: {  	_ =	swait.ge [sflag:s16], $0x1000  }
0x150: {  	s21 =	sld [smem:$0x7F3]  }
0x151: {  	[sflag:s16] =	ssyncset.done $0x0  }
0x152: {  	[sflag:s16] =	ssyncadd.s32 $0xFFFFF000  }
0x153: {  	[spmem:s3] =	stream.indirect.scatter.add.f32 [tilespmem:s6], [sflag:$0x6], $0x80, s21, s8, $0xb8;
	[tilespmem:$0x10500] =	vst v63  }
0x154: {  	_ =	swait.ge [sflag:s14], $0x1000  }
0x155: {  	[sflag:s14] =	ssyncset.done $0x0  }
0x156: {  	s25 =	rddreg [dreg:$0x13];
	[sflag:s14] =	ssyncadd.s32 $0xFFFFF000  }
0x157: {  	[hbm:s25], [sflag:s12] =	dma.local [spmem:s11], $0x200  }
0x158: {  	_ =	swait.ge [sflag:s18], $0x200  }
0x159: {  	[sflag:s18] =	ssyncset.done $0x0  }
0x15a: {  	[sflag:s18] =	ssyncadd.s32 $0xFFFFFE00  }
0x15b: {  	_ =	swait.ge [sflag:s18], $0x1000  }
0x15c: {  	s1 =	sld [smem:$0x7F5]  }
0x15d: {  	[sflag:s18] =	ssyncset.done $0x0  }
0x15e: {  	[sflag:s18] =	ssyncadd.s32 $0xFFFFF000  }
0x15f: {  	[spmem:s3] =	stream.indirect.scatter.add.f32 [tilespmem:s31], [sflag:$0x7], $0x80, s1, s8, $0xb8;
	[tilespmem:$0x10500] =	vst v63  }
0x160: {  	_ =	swait.ge [sflag:s16], $0x1000  }
0x161: {  	[sflag:s16] =	ssyncset.done $0x0  }
0x162: {  	s7 =	rddreg [dreg:$0x14];
	[sflag:s16] =	ssyncadd.s32 $0xFFFFF000  }
0x163: {  	[hbm:s7], [sflag:s12] =	dma.local [spmem:s13], $0x200  }
0x164: {  	_ =	swait.ge [sflag:s20], $0x200  }
0x165: {  	[sflag:s20] =	ssyncset.done $0x0  }
0x166: {  	[sflag:s20] =	ssyncadd.s32 $0xFFFFFE00  }
0x167: {  	_ =	swait.ge [sflag:s20], $0x1000  }
0x168: {  	s9 =	sld [smem:$0x7F7]  }
0x169: {  	[sflag:s20] =	ssyncset.done $0x0  }
0x16a: {  	[sflag:s20] =	ssyncadd.s32 $0xFFFFF000  }
0x16b: {  	[spmem:s3] =	stream.indirect.scatter.add.f32 [tilespmem:s2], [sflag:$0x8], $0x80, s9, s8, $0xb8;
	[tilespmem:$0x10500] =	vst v63  }
0x16c: {  	_ =	swait.ge [sflag:s18], $0x1000  }
0x16d: {  	[sflag:s18] =	ssyncset.done $0x0  }
0x16e: {  	s11 =	rddreg [dreg:$0x15];
	[sflag:s18] =	ssyncadd.s32 $0xFFFFF000  }
0x16f: {  	[hbm:s11], [sflag:s12] =	dma.local [spmem:s15], $0x200  }
0x170: {  	_ =	swait.ge [sflag:s23], $0x100  }
0x171: {  	[sflag:s23] =	ssyncset.done $0x0  }
0x172: {  	[sflag:s23] =	ssyncadd.s32 $0xFFFFFF00  }
0x173: {  	_ =	swait.ge [sflag:s23], $0x800  }
0x174: {  	s13 =	sld [smem:$0x7F9]  }
0x175: {  	[sflag:s23] =	ssyncset.done $0x0  }
0x176: {  	s15 =	simm.s32 $0x7500;
	[sflag:s23] =	ssyncadd.s32 $0xFFFFF800  }
0x177: {  	[spmem:s3] =	stream.indirect.scatter.add.f32 [tilespmem:s15], [sflag:$0x9], $0x80, s13, s5, $0xb8;
	[tilespmem:$0x10500] =	vst v63  }
0x178: {  	_ =	swait.ge [sflag:s20], $0x1000  }
0x179: {  	[sflag:s20] =	ssyncset.done $0x0  }
0x17a: {  	s21 =	rddreg [dreg:$0x16];
	[sflag:s20] =	ssyncadd.s32 $0xFFFFF000  }
0x17b: {  	[hbm:s21], [sflag:s12] =	dma.local [spmem:s17], $0x200  }
0x17c: {  	_ =	swait.ge [sflag:s24], $0x100  }
0x17d: {  	[sflag:s24] =	ssyncset.done $0x0  }
0x17e: {  	[sflag:s24] =	ssyncadd.s32 $0xFFFFFF00  }
0x17f: {  	_ =	swait.ge [sflag:s24], $0x800  }
0x180: {  	s25 =	sld [smem:$0x7FB]  }
0x181: {  	[sflag:s24] =	ssyncset.done $0x0  }
0x182: {  	[sflag:s24] =	ssyncadd.s32 $0xFFFFF800  }
0x183: {  	[spmem:s3] =	stream.indirect.scatter.add.f32 [tilespmem:s30], [sflag:$0xA], $0x80, s25, s5, $0xb8;
	[tilespmem:$0x10500] =	vst v63  }
0x184: {  	_ =	swait.ge [sflag:s23], $0x800  }
0x185: {  	[sflag:s23] =	ssyncset.done $0x0  }
0x186: {  	s30 =	rddreg [dreg:$0x17];
	[sflag:s23] =	ssyncadd.s32 $0xFFFFF800  }
0x187: {  	[hbm:s30], [sflag:s12] =	dma.local [spmem:s19], $0x100  }
0x188: {  	_ =	swait.ge [sflag:s24], $0x800  }
0x189: {  	[sflag:s24] =	ssyncset.done $0x0  }
0x18a: {  	s31 =	rddreg [dreg:$0x18];
	[sflag:s24] =	ssyncadd.s32 $0xFFFFF800  }
0x18b: {  	[hbm:s31], [sflag:s12] =	dma.local [spmem:s22], $0x100  }
0x18c: {  	_ =	swait.ge [sflag:s26], $0x300  }
0x18d: {  	[sflag:s26] =	ssyncset.done $0x0  }
0x18e: {  	p0 =	sne.s32 s29, $0x1;
	[sflag:s26] =	ssyncadd.s32 $0xFFFFFD00  }
.Ltmp1:
0x18f: {  	_ =	swait.ge [sflag:s26], $0x300;
	(pc) =	sbr.rel @p0 .LBB2_2-.Ltmp1, $4  }
0x190: {  	[sflag:s26] =	ssyncset.done $0x0  }
0x191: {  	[sflag:s26] =	ssyncadd.s32 $0xFFFFFD00  }
0x192: {  	_ =	swait.ge [sflag:s26], $0x200  }
0x193: {  	s29 =	sadd.s32 $0xFFFFFFFF, s29;
	[sflag:s26] =	ssyncset.done $0x0  }
.LBB2_3:
0x194: {  	[sflag:s26] =	ssyncadd.s32 $0xFFFFFE00  }
0x195: {  	_ =	swait.ge [sflag:s26], $0x200  }
0x196: {  	[sflag:s26] =	ssyncset.done $0x0  }
0x197: {  	[sflag:s26] =	ssyncadd.s32 $0xFFFFFE00  }
0x198: {  	_ =	swait.ge [sflag:s26], $0x200  }
0x199: {  	[sflag:s26] =	ssyncset.done $0x0  }
0x19a: {  	[sflag:s26] =	ssyncadd.s32 $0xFFFFFE00  }
0x19b: {  	_ =	swait.ge [sflag:s26], $0x200  }
0x19c: {  	[sflag:s26] =	ssyncset.done $0x0  }
0x19d: {  	[sflag:s26] =	ssyncadd.s32 $0xFFFFFE00  }
0x19e: {  	_ =	swait.ge [sflag:s26], $0x100  }
0x19f: {  	[sflag:s26] =	ssyncset.done $0x0  }
0x1a0: {  	[sflag:s26] =	ssyncadd.s32 $0xFFFFFF00  }
0x1a1: {  	_ =	swait.ge [sflag:s26], $0x100  }
0x1a2: {  	[sflag:s26] =	ssyncset.done $0x0  }
0x1a3: {  	[sflag:s26] =	ssyncadd.s32 $0xFFFFFF00  }
0x1a4: {  	_ =	sfence.sel $0x180000  }
0x1a5: {  	[bflag:$0x0] =	sbarrier.arrive $0xFFFF  }
0x1a6: {  	_ =	strace $0x90000047  }
0x1a7: {  	s0 =	stileid.u32;
	[bflag:$0x2] =	sbarrier.arrive $0xFFFF  }
0x1a8: {  	p0 =	sne.s32 s0, $0x0;
	s0 =	rddreg [dreg:$0x5]  }
0x1a9: {  	s0 =	sadd.s32 @!p0 $0x100000, s0  }
0x1aa: {  	[sflag:s0] =	ssyncadd.tile.s32 @!p0 $0x1;
	_ =	shalt  }
.Lfunc_end2:
_tile_overlayer_lowered:
.L_overlay_start_2:
0x1ab: {  	(tag) =	ssettag $0x2  }
0x1ac: {  	s0 =	rddreg [dreg:$0x0];
	s2 =	stileid.u32  }
0x1ad: {  	s1 =	rddreg [dreg:$0x1];
	p0 =	sne.s32 s2, $0x0  }
0x1ae: {  	s3 =	rddreg [dreg:$0x2];
	[bflag:$0x3] =	sbarrier.arrive $0xFFFF;
	s2 =	simm.s32 @!p0 $0x1C0C  }
0x1af: {  	[timem:s3], [sflag:s2] =	dma.local @!p0 [hbm:s0], s1  }
0x1b0: {  	s0 =	simm.s32 @!p0 $0xC  }
0x1b1: {  	_ =	swait.ge @!p0 [sflag:s0], s1  }
0x1b2: {  	s1 =	ssub.s32 @!p0 $0x0, s1;
	[sflag:s0] =	ssyncset.done @!p0 $0x0  }
0x1b3: {  	[sflag:s0] =	ssyncadd.s32 @!p0 s1  }
0x1b4: {  	[bflag:$0x3] =	sbarrier.arrive $0xFFFF  }
0x1b5: {  	_ =	shalt  }

</sc_bundles>
